<compile_context>
chip_gen: v7x
topology: tpu7x:2x2x1
jax: 0.10.2.dev20260603
libtpu: 0.0.44.dev20260713+nightly
codegen_flags: <defaults>
</compile_context>

<pallas_src>
import functools

import jax
import jax.numpy as jnp
from jax import lax
from jax.experimental import pallas as pl
from jax.experimental.pallas import tpu as pltpu
from jax.experimental.pallas import tpu_sc as plsc

NC = 2
NS = 16
NW = NC * NS
D = 32
S = 200
G = 128
GPC = 8
C = G * GPC

BB = 256
PPB = BB * S // 4


def _gather_kernel(tot):
    per_w = tot // NW
    n_chunks = per_w // C
    rows_per_w = per_w // G
    assert n_chunks % 2 == 0

    mesh = plsc.VectorSubcoreMesh(core_axis_name="c", subcore_axis_name="s")

    @functools.partial(
        pl.kernel,
        out_type=jax.ShapeDtypeStruct((tot, D), jnp.float32),
        mesh=mesh,
        scratch_types=[
            pltpu.VMEM((C,), jnp.int32),
            pltpu.VMEM((C,), jnp.int32),
            pltpu.VMEM((C, D), jnp.float32),
            pltpu.VMEM((C, D), jnp.float32),
            pltpu.SemaphoreType.DMA,
            pltpu.SemaphoreType.DMA,
        ],
        compiler_params=pltpu.CompilerParams(use_tc_tiling_on_sc=False),
    )
    def k(idx_hbm, table_hbm, out_hbm, idx_v0, idx_v1, rows_v0, rows_v1,
          gsem, wsem):
        idx_v = (idx_v0, idx_v1)
        rows_v = (rows_v0, rows_v1)
        wid = lax.axis_index("s") * NC + lax.axis_index("c")
        base_row = wid * rows_per_w

        def fire_gathers(ci, b):
            i0 = (base_row + ci * GPC) * G
            pltpu.sync_copy(idx_hbm.at[pl.ds(i0, C)], idx_v[b])
            for j in range(GPC):
                pltpu.async_copy(
                    table_hbm.at[idx_v[b].at[pl.ds(j * G, G)]],
                    rows_v[b].at[pl.ds(j * G, G)],
                    gsem,
                )

        def wait_gathers(b):
            for j in range(GPC):
                pltpu.make_async_copy(
                    table_hbm.at[idx_v[b].at[pl.ds(j * G, G)]],
                    rows_v[b].at[pl.ds(j * G, G)],
                    gsem,
                ).wait()

        def fire_write(ci, b):
            row0 = base_row + ci * GPC
            pltpu.async_copy(rows_v[b], out_hbm.at[pl.ds(row0 * G, C)], wsem)

        def wait_write(ci, b):
            row0 = base_row + ci * GPC
            pltpu.make_async_copy(
                rows_v[b], out_hbm.at[pl.ds(row0 * G, C)], wsem
            ).wait()

        fire_gathers(0, 0)

        @pl.loop(0, n_chunks, step=2)
        def chunk_loop(ci0):
            for b in range(2):
                ci = ci0 + b
                nb = 1 - b

                @pl.when(ci >= 1)
                def _():
                    wait_write(ci - 1, nb)

                @pl.when(ci + 1 < n_chunks)
                def _():
                    fire_gathers(ci + 1, nb)

                wait_gathers(b)
                fire_write(ci, b)

        wait_write(n_chunks - 1, (n_chunks - 1) % 2)

    return k


def _relayout_body(x_ref, o_ref):
    x = x_ref[...]
    x3 = x.reshape(BB, S // 4, 128)
    y = jnp.swapaxes(x3, 0, 1)
    o_ref[...] = jnp.swapaxes(y, 1, 2)


def _relayout(lin128, nb):
    nblk = nb // BB
    return pl.pallas_call(
        _relayout_body,
        grid=(nblk,),
        in_specs=[pl.BlockSpec((PPB, 128), lambda i: (i, 0))],
        out_specs=pl.BlockSpec((S // 4, 128, BB), lambda i: (0, 0, i)),
        out_shape=jax.ShapeDtypeStruct((S // 4, 128, nb), jnp.float32),
    )(lin128)


@functools.partial(jax.jit, static_argnums=(2,))
def _emb_lookup(src, table, nb):
    tot = nb * S
    idx1d = src.reshape(tot).astype(jnp.int32)
    lin = _gather_kernel(tot)(idx1d, table)
    out = _relayout(lin.reshape(tot // 4, 128), nb)
    return out.reshape(S, D, nb).transpose(2, 0, 1)


def kernel(src, table):
    nb, s = src.shape
    return _emb_lookup(src, table, nb)

# --- scband reference (transcript-rebuilt; emitter-appended) ---
"""Pipeline reference for scband-all-embedding-28544352649437 (READ-ONLY COPY).

The authoritative reference and input builder live on the scoring server;
editing this copy changes nothing except your own understanding.
"""

import jax, jax.numpy as jnp
import numpy as np

NUM_EMB = 1000000
EMB_DIM = 32
BATCH = 16384
SEQ = 200

def setup_inputs(seed: int = 0) -> dict:
    key = jax.random.key(seed)
    k1, k2 = jax.random.split(key)
    src = jax.random.randint(k1, (BATCH, SEQ), 0, NUM_EMB, dtype=jnp.int64 if jax.config.read('jax_enable_x64') else jnp.int32)
    table = jax.random.normal(k2, (NUM_EMB, EMB_DIM), dtype=jnp.float32)
    # padding_idx=0: embedding row 0 is zeroed
    table = table.at[0].set(0.0)
    return {"src": src, "table": table}

def reference(src, table):
    # emb_loc(src): gather rows of the embedding table
    emb = jnp.take(table, src, axis=0)
    # nn.Dropout(0.1) is identity in eval mode
    return emb

if __name__ == "__main__":
    import jax
    _d = setup_inputs()
    print(jax.jit(kernel)(*tuple(_d.values())))

</pallas_src>

<mosaic_0001>
#map = affine_map<(d0, d1) -> (0)>
#map1 = affine_map<(d0, d1) -> (0, 0)>
module attributes {stable_mosaic.version = 14 : i64} {
  func.func @k(%arg0: i32, %arg1: i32, %arg2: memref<3276800xi32, #tpu.memory_space<hbm>>, %arg3: memref<1000000x32xf32, #tpu.memory_space<hbm>>, %arg4: memref<3276800x32xf32, #tpu.memory_space<hbm>>, %arg5: memref<1024xi32, #tpu.memory_space<vmem>>, %arg6: memref<1024xi32, #tpu.memory_space<vmem>>, %arg7: memref<1024x32xf32, #tpu.memory_space<vmem>>, %arg8: memref<1024x32xf32, #tpu.memory_space<vmem>>, %arg9: memref<!tpu.dma_semaphore, #tpu.memory_space<semaphore_mem>>, %arg10: memref<!tpu.dma_semaphore, #tpu.memory_space<semaphore_mem>>) attributes {dimension_semantics = [#tpu.dimension_semantics<core_parallel>, #tpu.dimension_semantics<subcore_parallel>], iteration_bounds = array<i64: 2, 16>, scalar_prefetch = 0 : i64, scratch_operands = 6 : i64, tpu.core_type = #tpu.core_type<sc_vector_subcore>, window_params = [{transform_indices = #map}, {transform_indices = #map1}, {transform_indices = #map1}]} {
    %mul3A = arith.constant 2 : i32
    %mul3A_0 = arith.muli %arg1, %mul3A : i32
    %add3A = arith.addi %mul3A_0, %arg0 : i32
    %mul3A_1 = arith.constant 800 : i32
    %mul3A_2 = arith.muli %add3A, %mul3A_1 : i32
    %add3A_3 = arith.constant 0 : i32
    %add3A_4 = arith.addi %mul3A_2, %add3A_3 : i32
    %mul3A_5 = arith.constant 128 : i32
    %mul3A_6 = arith.muli %add3A_4, %mul3A_5 : i32
    "tpu.region"() ({
      %run_scoped3A = tpu.sem_alloc : memref<!tpu.dma_semaphore, #tpu.memory_space<semaphore_mem>>
      %dma_start3A_81 = tpu.memref_slice %arg2[%mul3A_6] : memref<3276800xi32, #tpu.memory_space<hbm>> -> memref<1024xi32, #tpu.memory_space<hbm>>
      %dma_start3A_82 = tpu.memref_slice %arg2[%mul3A_6] : memref<3276800xi32, #tpu.memory_space<hbm>> -> memref<1024xi32, #tpu.memory_space<hbm>>
      tpu.enqueue_dma source(%dma_start3A_82 : memref<1024xi32, #tpu.memory_space<hbm>>) target(%arg5 : memref<1024xi32, #tpu.memory_space<vmem>>) target_semaphore(%run_scoped3A : memref<!tpu.dma_semaphore, #tpu.memory_space<semaphore_mem>>)
      %dma_wait3A_83 = tpu.memref_slice %arg2[%mul3A_6] : memref<3276800xi32, #tpu.memory_space<hbm>> -> memref<1024xi32, #tpu.memory_space<hbm>>
      %dma_wait3A_84 = tpu.memref_slice %arg2[%mul3A_6] : memref<3276800xi32, #tpu.memory_space<hbm>> -> memref<1024xi32, #tpu.memory_space<hbm>>
      tpu.wait_dma2 semaphore(%run_scoped3A : memref<!tpu.dma_semaphore, #tpu.memory_space<semaphore_mem>>) src(%dma_wait3A_84 : memref<1024xi32, #tpu.memory_space<hbm>>) dst(%arg5 : memref<1024xi32, #tpu.memory_space<vmem>>)
      tpu.yield
    }) : () -> ()
    %dma_start3A = arith.constant 0 : i32
    %dma_start3A_7 = arith.constant 0 : i32
    %dma_start3A_8 = tpu.memref_slice %arg7[%dma_start3A, %dma_start3A_7] : memref<1024x32xf32, #tpu.memory_space<vmem>> -> memref<128x32xf32, #tpu.memory_space<vmem>>
    %dma_start3A_9 = arith.constant 0 : i32
    %dma_start3A_10 = tpu.memref_slice %arg5[%dma_start3A_9] : memref<1024xi32, #tpu.memory_space<vmem>> -> memref<128xi32, #tpu.memory_space<vmem>>
    %dma_start3A_11 = arith.constant 0 : i32
    %dma_start3A_12 = arith.constant 0 : i32
    %dma_start3A_13 = tpu.memref_slice %arg3[%dma_start3A_11, %dma_start3A_12] : memref<1000000x32xf32, #tpu.memory_space<hbm>> -> memref<1000000x32xf32, #tpu.memory_space<hbm>>
    tpu.enqueue_indirect_dma source(%dma_start3A_13 : memref<1000000x32xf32, #tpu.memory_space<hbm>>) target(%dma_start3A_8 : memref<128x32xf32, #tpu.memory_space<vmem>>) offsets(%dma_start3A_10 : memref<128xi32, #tpu.memory_space<vmem>>) semaphore(%arg9 : memref<!tpu.dma_semaphore, #tpu.memory_space<semaphore_mem>>)
    %dma_start3A_14 = arith.constant 128 : i32
    %dma_start3A_15 = arith.constant 0 : i32
    %dma_start3A_16 = tpu.memref_slice %arg7[%dma_start3A_14, %dma_start3A_15] : memref<1024x32xf32, #tpu.memory_space<vmem>> -> memref<128x32xf32, #tpu.memory_space<vmem>>
    %dma_start3A_17 = arith.constant 128 : i32
    %dma_start3A_18 = tpu.memref_slice %arg5[%dma_start3A_17] : memref<1024xi32, #tpu.memory_space<vmem>> -> memref<128xi32, #tpu.memory_space<vmem>>
    %dma_start3A_19 = arith.constant 0 : i32
    %dma_start3A_20 = arith.constant 0 : i32
    %dma_start3A_21 = tpu.memref_slice %arg3[%dma_start3A_19, %dma_start3A_20] : memref<1000000x32xf32, #tpu.memory_space<hbm>> -> memref<1000000x32xf32, #tpu.memory_space<hbm>>
    tpu.enqueue_indirect_dma source(%dma_start3A_21 : memref<1000000x32xf32, #tpu.memory_space<hbm>>) target(%dma_start3A_16 : memref<128x32xf32, #tpu.memory_space<vmem>>) offsets(%dma_start3A_18 : memref<128xi32, #tpu.memory_space<vmem>>) semaphore(%arg9 : memref<!tpu.dma_semaphore, #tpu.memory_space<semaphore_mem>>)
    %dma_start3A_22 = arith.constant 256 : i32
    %dma_start3A_23 = arith.constant 0 : i32
    %dma_start3A_24 = tpu.memref_slice %arg7[%dma_start3A_22, %dma_start3A_23] : memref<1024x32xf32, #tpu.memory_space<vmem>> -> memref<128x32xf32, #tpu.memory_space<vmem>>
    %dma_start3A_25 = arith.constant 256 : i32
    %dma_start3A_26 = tpu.memref_slice %arg5[%dma_start3A_25] : memref<1024xi32, #tpu.memory_space<vmem>> -> memref<128xi32, #tpu.memory_space<vmem>>
    %dma_start3A_27 = arith.constant 0 : i32
    %dma_start3A_28 = arith.constant 0 : i32
    %dma_start3A_29 = tpu.memref_slice %arg3[%dma_start3A_27, %dma_start3A_28] : memref<1000000x32xf32, #tpu.memory_space<hbm>> -> memref<1000000x32xf32, #tpu.memory_space<hbm>>
    tpu.enqueue_indirect_dma source(%dma_start3A_29 : memref<1000000x32xf32, #tpu.memory_space<hbm>>) target(%dma_start3A_24 : memref<128x32xf32, #tpu.memory_space<vmem>>) offsets(%dma_start3A_26 : memref<128xi32, #tpu.memory_space<vmem>>) semaphore(%arg9 : memref<!tpu.dma_semaphore, #tpu.memory_space<semaphore_mem>>)
    %dma_start3A_30 = arith.constant 384 : i32
    %dma_start3A_31 = arith.constant 0 : i32
    %dma_start3A_32 = tpu.memref_slice %arg7[%dma_start3A_30, %dma_start3A_31] : memref<1024x32xf32, #tpu.memory_space<vmem>> -> memref<128x32xf32, #tpu.memory_space<vmem>>
    %dma_start3A_33 = arith.constant 384 : i32
    %dma_start3A_34 = tpu.memref_slice %arg5[%dma_start3A_33] : memref<1024xi32, #tpu.memory_space<vmem>> -> memref<128xi32, #tpu.memory_space<vmem>>
    %dma_start3A_35 = arith.constant 0 : i32
    %dma_start3A_36 = arith.constant 0 : i32
    %dma_start3A_37 = tpu.memref_slice %arg3[%dma_start3A_35, %dma_start3A_36] : memref<1000000x32xf32, #tpu.memory_space<hbm>> -> memref<1000000x32xf32, #tpu.memory_space<hbm>>
    tpu.enqueue_indirect_dma source(%dma_start3A_37 : memref<1000000x32xf32, #tpu.memory_space<hbm>>) target(%dma_start3A_32 : memref<128x32xf32, #tpu.memory_space<vmem>>) offsets(%dma_start3A_34 : memref<128xi32, #tpu.memory_space<vmem>>) semaphore(%arg9 : memref<!tpu.dma_semaphore, #tpu.memory_space<semaphore_mem>>)
    %dma_start3A_38 = arith.constant 512 : i32
    %dma_start3A_39 = arith.constant 0 : i32
    %dma_start3A_40 = tpu.memref_slice %arg7[%dma_start3A_38, %dma_start3A_39] : memref<1024x32xf32, #tpu.memory_space<vmem>> -> memref<128x32xf32, #tpu.memory_space<vmem>>
    %dma_start3A_41 = arith.constant 512 : i32
    %dma_start3A_42 = tpu.memref_slice %arg5[%dma_start3A_41] : memref<1024xi32, #tpu.memory_space<vmem>> -> memref<128xi32, #tpu.memory_space<vmem>>
    %dma_start3A_43 = arith.constant 0 : i32
    %dma_start3A_44 = arith.constant 0 : i32
    %dma_start3A_45 = tpu.memref_slice %arg3[%dma_start3A_43, %dma_start3A_44] : memref<1000000x32xf32, #tpu.memory_space<hbm>> -> memref<1000000x32xf32, #tpu.memory_space<hbm>>
    tpu.enqueue_indirect_dma source(%dma_start3A_45 : memref<1000000x32xf32, #tpu.memory_space<hbm>>) target(%dma_start3A_40 : memref<128x32xf32, #tpu.memory_space<vmem>>) offsets(%dma_start3A_42 : memref<128xi32, #tpu.memory_space<vmem>>) semaphore(%arg9 : memref<!tpu.dma_semaphore, #tpu.memory_space<semaphore_mem>>)
    %dma_start3A_46 = arith.constant 640 : i32
    %dma_start3A_47 = arith.constant 0 : i32
    %dma_start3A_48 = tpu.memref_slice %arg7[%dma_start3A_46, %dma_start3A_47] : memref<1024x32xf32, #tpu.memory_space<vmem>> -> memref<128x32xf32, #tpu.memory_space<vmem>>
    %dma_start3A_49 = arith.constant 640 : i32
    %dma_start3A_50 = tpu.memref_slice %arg5[%dma_start3A_49] : memref<1024xi32, #tpu.memory_space<vmem>> -> memref<128xi32, #tpu.memory_space<vmem>>
    %dma_start3A_51 = arith.constant 0 : i32
    %dma_start3A_52 = arith.constant 0 : i32
    %dma_start3A_53 = tpu.memref_slice %arg3[%dma_start3A_51, %dma_start3A_52] : memref<1000000x32xf32, #tpu.memory_space<hbm>> -> memref<1000000x32xf32, #tpu.memory_space<hbm>>
    tpu.enqueue_indirect_dma source(%dma_start3A_53 : memref<1000000x32xf32, #tpu.memory_space<hbm>>) target(%dma_start3A_48 : memref<128x32xf32, #tpu.memory_space<vmem>>) offsets(%dma_start3A_50 : memref<128xi32, #tpu.memory_space<vmem>>) semaphore(%arg9 : memref<!tpu.dma_semaphore, #tpu.memory_space<semaphore_mem>>)
    %dma_start3A_54 = arith.constant 768 : i32
    %dma_start3A_55 = arith.constant 0 : i32
    %dma_start3A_56 = tpu.memref_slice %arg7[%dma_start3A_54, %dma_start3A_55] : memref<1024x32xf32, #tpu.memory_space<vmem>> -> memref<128x32xf32, #tpu.memory_space<vmem>>
    %dma_start3A_57 = arith.constant 768 : i32
    %dma_start3A_58 = tpu.memref_slice %arg5[%dma_start3A_57] : memref<1024xi32, #tpu.memory_space<vmem>> -> memref<128xi32, #tpu.memory_space<vmem>>
    %dma_start3A_59 = arith.constant 0 : i32
    %dma_start3A_60 = arith.constant 0 : i32
    %dma_start3A_61 = tpu.memref_slice %arg3[%dma_start3A_59, %dma_start3A_60] : memref<1000000x32xf32, #tpu.memory_space<hbm>> -> memref<1000000x32xf32, #tpu.memory_space<hbm>>
    tpu.enqueue_indirect_dma source(%dma_start3A_61 : memref<1000000x32xf32, #tpu.memory_space<hbm>>) target(%dma_start3A_56 : memref<128x32xf32, #tpu.memory_space<vmem>>) offsets(%dma_start3A_58 : memref<128xi32, #tpu.memory_space<vmem>>) semaphore(%arg9 : memref<!tpu.dma_semaphore, #tpu.memory_space<semaphore_mem>>)
    %dma_start3A_62 = arith.constant 896 : i32
    %dma_start3A_63 = arith.constant 0 : i32
    %dma_start3A_64 = tpu.memref_slice %arg7[%dma_start3A_62, %dma_start3A_63] : memref<1024x32xf32, #tpu.memory_space<vmem>> -> memref<128x32xf32, #tpu.memory_space<vmem>>
    %dma_start3A_65 = arith.constant 896 : i32
    %dma_start3A_66 = tpu.memref_slice %arg5[%dma_start3A_65] : memref<1024xi32, #tpu.memory_space<vmem>> -> memref<128xi32, #tpu.memory_space<vmem>>
    %dma_start3A_67 = arith.constant 0 : i32
    %dma_start3A_68 = arith.constant 0 : i32
    %dma_start3A_69 = tpu.memref_slice %arg3[%dma_start3A_67, %dma_start3A_68] : memref<1000000x32xf32, #tpu.memory_space<hbm>> -> memref<1000000x32xf32, #tpu.memory_space<hbm>>
    tpu.enqueue_indirect_dma source(%dma_start3A_69 : memref<1000000x32xf32, #tpu.memory_space<hbm>>) target(%dma_start3A_64 : memref<128x32xf32, #tpu.memory_space<vmem>>) offsets(%dma_start3A_66 : memref<128xi32, #tpu.memory_space<vmem>>) semaphore(%arg9 : memref<!tpu.dma_semaphore, #tpu.memory_space<semaphore_mem>>)
    %scan3A = arith.constant 0 : i32
    %scan3A_70 = arith.constant 50 : i32
    %scan3A_71 = arith.addi %scan3A, %scan3A_70 : i32
    %scan3A_72 = arith.constant 1 : i32
    scf.for %scan3A_81 = %scan3A to %scan3A_71 step %scan3A_72  : i32 {
      %mul3A_82 = arith.constant 2 : i32
      %mul3A_83 = arith.muli %scan3A_81, %mul3A_82 : i32
      %add3A_84 = arith.constant 0 : i32
      %add3A_85 = arith.addi %add3A_84, %mul3A_83 : i32
      %add3A_86 = arith.constant 0 : i32
      %add3A_87 = arith.addi %add3A_85, %add3A_86 : i32
      %ge3A = arith.constant 1 : i32
      %ge3A_88 = arith.cmpi sge, %add3A_87, %ge3A : i32
      %convert_element_type3A = arith.extui %ge3A_88 : i1 to i32
      %cond3A = arith.constant 0 : i32
      %cond3A_89 = arith.cmpi ne, %convert_element_type3A, %cond3A : i32
      scf.if %cond3A_89 {
        %sub3A = arith.constant 1 : i32
        %sub3A_256 = arith.subi %add3A_87, %sub3A : i32
        %mul3A_257 = arith.constant 8 : i32
        %mul3A_258 = arith.muli %sub3A_256, %mul3A_257 : i32
        %add3A_259 = arith.addi %mul3A_2, %mul3A_258 : i32
        %mul3A_260 = arith.constant 128 : i32
        %mul3A_261 = arith.muli %add3A_259, %mul3A_260 : i32
        %dma_wait3A_262 = arith.constant 0 : i32
        %dma_wait3A_263 = tpu.memref_slice %arg4[%mul3A_261, %dma_wait3A_262] : memref<3276800x32xf32, #tpu.memory_space<hbm>> -> memref<1024x32xf32, #tpu.memory_space<hbm>>
        %dma_wait3A_264 = arith.constant 0 : i32
        %dma_wait3A_265 = tpu.memref_slice %arg4[%mul3A_261, %dma_wait3A_264] : memref<3276800x32xf32, #tpu.memory_space<hbm>> -> memref<1024x32xf32, #tpu.memory_space<hbm>>
        tpu.wait_dma2 semaphore(%arg10 : memref<!tpu.dma_semaphore, #tpu.memory_space<semaphore_mem>>) src(%arg8 : memref<1024x32xf32, #tpu.memory_space<vmem>>) dst(%dma_wait3A_265 : memref<1024x32xf32, #tpu.memory_space<hbm>>)
      } else {
      }
      %add3A_90 = arith.constant 1 : i32
      %add3A_91 = arith.addi %add3A_87, %add3A_90 : i32
      %lt3A = arith.constant 100 : i32
      %lt3A_92 = arith.cmpi slt, %add3A_91, %lt3A : i32
      %convert_element_type3A_93 = arith.extui %lt3A_92 : i1 to i32
      %cond3A_94 = arith.constant 0 : i32
      %cond3A_95 = arith.cmpi ne, %convert_element_type3A_93, %cond3A_94 : i32
      scf.if %cond3A_95 {
        %add3A_256 = arith.constant 1 : i32
        %add3A_257 = arith.addi %add3A_87, %add3A_256 : i32
        %mul3A_258 = arith.constant 8 : i32
        %mul3A_259 = arith.muli %add3A_257, %mul3A_258 : i32
        %add3A_260 = arith.addi %mul3A_2, %mul3A_259 : i32
        %mul3A_261 = arith.constant 128 : i32
        %mul3A_262 = arith.muli %add3A_260, %mul3A_261 : i32
        "tpu.region"() ({
          %run_scoped3A = tpu.sem_alloc : memref<!tpu.dma_semaphore, #tpu.memory_space<semaphore_mem>>
          %dma_start3A_327 = tpu.memref_slice %arg2[%mul3A_262] : memref<3276800xi32, #tpu.memory_space<hbm>> -> memref<1024xi32, #tpu.memory_space<hbm>>
          %dma_start3A_328 = tpu.memref_slice %arg2[%mul3A_262] : memref<3276800xi32, #tpu.memory_space<hbm>> -> memref<1024xi32, #tpu.memory_space<hbm>>
          tpu.enqueue_dma source(%dma_start3A_328 : memref<1024xi32, #tpu.memory_space<hbm>>) target(%arg6 : memref<1024xi32, #tpu.memory_space<vmem>>) target_semaphore(%run_scoped3A : memref<!tpu.dma_semaphore, #tpu.memory_space<semaphore_mem>>)
          %dma_wait3A_329 = tpu.memref_slice %arg2[%mul3A_262] : memref<3276800xi32, #tpu.memory_space<hbm>> -> memref<1024xi32, #tpu.memory_space<hbm>>
          %dma_wait3A_330 = tpu.memref_slice %arg2[%mul3A_262] : memref<3276800xi32, #tpu.memory_space<hbm>> -> memref<1024xi32, #tpu.memory_space<hbm>>
          tpu.wait_dma2 semaphore(%run_scoped3A : memref<!tpu.dma_semaphore, #tpu.memory_space<semaphore_mem>>) src(%dma_wait3A_330 : memref<1024xi32, #tpu.memory_space<hbm>>) dst(%arg6 : memref<1024xi32, #tpu.memory_space<vmem>>)
          tpu.yield
        }) : () -> ()
        %dma_start3A_263 = arith.constant 0 : i32
        %dma_start3A_264 = arith.constant 0 : i32
        %dma_start3A_265 = tpu.memref_slice %arg8[%dma_start3A_263, %dma_start3A_264] : memref<1024x32xf32, #tpu.memory_space<vmem>> -> memref<128x32xf32, #tpu.memory_space<vmem>>
        %dma_start3A_266 = arith.constant 0 : i32
        %dma_start3A_267 = tpu.memref_slice %arg6[%dma_start3A_266] : memref<1024xi32, #tpu.memory_space<vmem>> -> memref<128xi32, #tpu.memory_space<vmem>>
        %dma_start3A_268 = arith.constant 0 : i32
        %dma_start3A_269 = arith.constant 0 : i32
        %dma_start3A_270 = tpu.memref_slice %arg3[%dma_start3A_268, %dma_start3A_269] : memref<1000000x32xf32, #tpu.memory_space<hbm>> -> memref<1000000x32xf32, #tpu.memory_space<hbm>>
        tpu.enqueue_indirect_dma source(%dma_start3A_270 : memref<1000000x32xf32, #tpu.memory_space<hbm>>) target(%dma_start3A_265 : memref<128x32xf32, #tpu.memory_space<vmem>>) offsets(%dma_start3A_267 : memref<128xi32, #tpu.memory_space<vmem>>) semaphore(%arg9 : memref<!tpu.dma_semaphore, #tpu.memory_space<semaphore_mem>>)
        %dma_start3A_271 = arith.constant 128 : i32
        %dma_start3A_272 = arith.constant 0 : i32
        %dma_start3A_273 = tpu.memref_slice %arg8[%dma_start3A_271, %dma_start3A_272] : memref<1024x32xf32, #tpu.memory_space<vmem>> -> memref<128x32xf32, #tpu.memory_space<vmem>>
        %dma_start3A_274 = arith.constant 128 : i32
        %dma_start3A_275 = tpu.memref_slice %arg6[%dma_start3A_274] : memref<1024xi32, #tpu.memory_space<vmem>> -> memref<128xi32, #tpu.memory_space<vmem>>
        %dma_start3A_276 = arith.constant 0 : i32
        %dma_start3A_277 = arith.constant 0 : i32
        %dma_start3A_278 = tpu.memref_slice %arg3[%dma_start3A_276, %dma_start3A_277] : memref<1000000x32xf32, #tpu.memory_space<hbm>> -> memref<1000000x32xf32, #tpu.memory_space<hbm>>
        tpu.enqueue_indirect_dma source(%dma_start3A_278 : memref<1000000x32xf32, #tpu.memory_space<hbm>>) target(%dma_start3A_273 : memref<128x32xf32, #tpu.memory_space<vmem>>) offsets(%dma_start3A_275 : memref<128xi32, #tpu.memory_space<vmem>>) semaphore(%arg9 : memref<!tpu.dma_semaphore, #tpu.memory_space<semaphore_mem>>)
        %dma_start3A_279 = arith.constant 256 : i32
        %dma_start3A_280 = arith.constant 0 : i32
        %dma_start3A_281 = tpu.memref_slice %arg8[%dma_start3A_279, %dma_start3A_280] : memref<1024x32xf32, #tpu.memory_space<vmem>> -> memref<128x32xf32, #tpu.memory_space<vmem>>
        %dma_start3A_282 = arith.constant 256 : i32
        %dma_start3A_283 = tpu.memref_slice %arg6[%dma_start3A_282] : memref<1024xi32, #tpu.memory_space<vmem>> -> memref<128xi32, #tpu.memory_space<vmem>>
        %dma_start3A_284 = arith.constant 0 : i32
        %dma_start3A_285 = arith.constant 0 : i32
        %dma_start3A_286 = tpu.memref_slice %arg3[%dma_start3A_284, %dma_start3A_285] : memref<1000000x32xf32, #tpu.memory_space<hbm>> -> memref<1000000x32xf32, #tpu.memory_space<hbm>>
        tpu.enqueue_indirect_dma source(%dma_start3A_286 : memref<1000000x32xf32, #tpu.memory_space<hbm>>) target(%dma_start3A_281 : memref<128x32xf32, #tpu.memory_space<vmem>>) offsets(%dma_start3A_283 : memref<128xi32, #tpu.memory_space<vmem>>) semaphore(%arg9 : memref<!tpu.dma_semaphore, #tpu.memory_space<semaphore_mem>>)
        %dma_start3A_287 = arith.constant 384 : i32
        %dma_start3A_288 = arith.constant 0 : i32
        %dma_start3A_289 = tpu.memref_slice %arg8[%dma_start3A_287, %dma_start3A_288] : memref<1024x32xf32, #tpu.memory_space<vmem>> -> memref<128x32xf32, #tpu.memory_space<vmem>>
        %dma_start3A_290 = arith.constant 384 : i32
        %dma_start3A_291 = tpu.memref_slice %arg6[%dma_start3A_290] : memref<1024xi32, #tpu.memory_space<vmem>> -> memref<128xi32, #tpu.memory_space<vmem>>
        %dma_start3A_292 = arith.constant 0 : i32
        %dma_start3A_293 = arith.constant 0 : i32
        %dma_start3A_294 = tpu.memref_slice %arg3[%dma_start3A_292, %dma_start3A_293] : memref<1000000x32xf32, #tpu.memory_space<hbm>> -> memref<1000000x32xf32, #tpu.memory_space<hbm>>
        tpu.enqueue_indirect_dma source(%dma_start3A_294 : memref<1000000x32xf32, #tpu.memory_space<hbm>>) target(%dma_start3A_289 : memref<128x32xf32, #tpu.memory_space<vmem>>) offsets(%dma_start3A_291 : memref<128xi32, #tpu.memory_space<vmem>>) semaphore(%arg9 : memref<!tpu.dma_semaphore, #tpu.memory_space<semaphore_mem>>)
        %dma_start3A_295 = arith.constant 512 : i32
        %dma_start3A_296 = arith.constant 0 : i32
        %dma_start3A_297 = tpu.memref_slice %arg8[%dma_start3A_295, %dma_start3A_296] : memref<1024x32xf32, #tpu.memory_space<vmem>> -> memref<128x32xf32, #tpu.memory_space<vmem>>
        %dma_start3A_298 = arith.constant 512 : i32
        %dma_start3A_299 = tpu.memref_slice %arg6[%dma_start3A_298] : memref<1024xi32, #tpu.memory_space<vmem>> -> memref<128xi32, #tpu.memory_space<vmem>>
        %dma_start3A_300 = arith.constant 0 : i32
        %dma_start3A_301 = arith.constant 0 : i32
        %dma_start3A_302 = tpu.memref_slice %arg3[%dma_start3A_300, %dma_start3A_301] : memref<1000000x32xf32, #tpu.memory_space<hbm>> -> memref<1000000x32xf32, #tpu.memory_space<hbm>>
        tpu.enqueue_indirect_dma source(%dma_start3A_302 : memref<1000000x32xf32, #tpu.memory_space<hbm>>) target(%dma_start3A_297 : memref<128x32xf32, #tpu.memory_space<vmem>>) offsets(%dma_start3A_299 : memref<128xi32, #tpu.memory_space<vmem>>) semaphore(%arg9 : memref<!tpu.dma_semaphore, #tpu.memory_space<semaphore_mem>>)
        %dma_start3A_303 = arith.constant 640 : i32
        %dma_start3A_304 = arith.constant 0 : i32
        %dma_start3A_305 = tpu.memref_slice %arg8[%dma_start3A_303, %dma_start3A_304] : memref<1024x32xf32, #tpu.memory_space<vmem>> -> memref<128x32xf32, #tpu.memory_space<vmem>>
        %dma_start3A_306 = arith.constant 640 : i32
        %dma_start3A_307 = tpu.memref_slice %arg6[%dma_start3A_306] : memref<1024xi32, #tpu.memory_space<vmem>> -> memref<128xi32, #tpu.memory_space<vmem>>
        %dma_start3A_308 = arith.constant 0 : i32
        %dma_start3A_309 = arith.constant 0 : i32
        %dma_start3A_310 = tpu.memref_slice %arg3[%dma_start3A_308, %dma_start3A_309] : memref<1000000x32xf32, #tpu.memory_space<hbm>> -> memref<1000000x32xf32, #tpu.memory_space<hbm>>
        tpu.enqueue_indirect_dma source(%dma_start3A_310 : memref<1000000x32xf32, #tpu.memory_space<hbm>>) target(%dma_start3A_305 : memref<128x32xf32, #tpu.memory_space<vmem>>) offsets(%dma_start3A_307 : memref<128xi32, #tpu.memory_space<vmem>>) semaphore(%arg9 : memref<!tpu.dma_semaphore, #tpu.memory_space<semaphore_mem>>)
        %dma_start3A_311 = arith.constant 768 : i32
        %dma_start3A_312 = arith.constant 0 : i32
        %dma_start3A_313 = tpu.memref_slice %arg8[%dma_start3A_311, %dma_start3A_312] : memref<1024x32xf32, #tpu.memory_space<vmem>> -> memref<128x32xf32, #tpu.memory_space<vmem>>
        %dma_start3A_314 = arith.constant 768 : i32
        %dma_start3A_315 = tpu.memref_slice %arg6[%dma_start3A_314] : memref<1024xi32, #tpu.memory_space<vmem>> -> memref<128xi32, #tpu.memory_space<vmem>>
        %dma_start3A_316 = arith.constant 0 : i32
        %dma_start3A_317 = arith.constant 0 : i32
        %dma_start3A_318 = tpu.memref_slice %arg3[%dma_start3A_316, %dma_start3A_317] : memref<1000000x32xf32, #tpu.memory_space<hbm>> -> memref<1000000x32xf32, #tpu.memory_space<hbm>>
        tpu.enqueue_indirect_dma source(%dma_start3A_318 : memref<1000000x32xf32, #tpu.memory_space<hbm>>) target(%dma_start3A_313 : memref<128x32xf32, #tpu.memory_space<vmem>>) offsets(%dma_start3A_315 : memref<128xi32, #tpu.memory_space<vmem>>) semaphore(%arg9 : memref<!tpu.dma_semaphore, #tpu.memory_space<semaphore_mem>>)
        %dma_start3A_319 = arith.constant 896 : i32
        %dma_start3A_320 = arith.constant 0 : i32
        %dma_start3A_321 = tpu.memref_slice %arg8[%dma_start3A_319, %dma_start3A_320] : memref<1024x32xf32, #tpu.memory_space<vmem>> -> memref<128x32xf32, #tpu.memory_space<vmem>>
        %dma_start3A_322 = arith.constant 896 : i32
        %dma_start3A_323 = tpu.memref_slice %arg6[%dma_start3A_322] : memref<1024xi32, #tpu.memory_space<vmem>> -> memref<128xi32, #tpu.memory_space<vmem>>
        %dma_start3A_324 = arith.constant 0 : i32
        %dma_start3A_325 = arith.constant 0 : i32
        %dma_start3A_326 = tpu.memref_slice %arg3[%dma_start3A_324, %dma_start3A_325] : memref<1000000x32xf32, #tpu.memory_space<hbm>> -> memref<1000000x32xf32, #tpu.memory_space<hbm>>
        tpu.enqueue_indirect_dma source(%dma_start3A_326 : memref<1000000x32xf32, #tpu.memory_space<hbm>>) target(%dma_start3A_321 : memref<128x32xf32, #tpu.memory_space<vmem>>) offsets(%dma_start3A_323 : memref<128xi32, #tpu.memory_space<vmem>>) semaphore(%arg9 : memref<!tpu.dma_semaphore, #tpu.memory_space<semaphore_mem>>)
      } else {
      }
      %dma_wait3A_96 = arith.constant 0 : i32
      %dma_wait3A_97 = arith.constant 0 : i32
      %dma_wait3A_98 = tpu.memref_slice %arg7[%dma_wait3A_96, %dma_wait3A_97] : memref<1024x32xf32, #tpu.memory_space<vmem>> -> memref<128x32xf32, #tpu.memory_space<vmem>>
      %dma_wait3A_99 = arith.constant 0 : i32
      %dma_wait3A_100 = tpu.memref_slice %arg5[%dma_wait3A_99] : memref<1024xi32, #tpu.memory_space<vmem>> -> memref<128xi32, #tpu.memory_space<vmem>>
      %dma_wait3A_101 = arith.constant 0 : i32
      %dma_wait3A_102 = arith.constant 0 : i32
      %dma_wait3A_103 = tpu.memref_slice %arg3[%dma_wait3A_101, %dma_wait3A_102] : memref<1000000x32xf32, #tpu.memory_space<hbm>> -> memref<1000000x32xf32, #tpu.memory_space<hbm>>
      tpu.wait_indirect_dma semaphore(%arg9 : memref<!tpu.dma_semaphore, #tpu.memory_space<semaphore_mem>>) src(%dma_wait3A_103 : memref<1000000x32xf32, #tpu.memory_space<hbm>>) dst(%dma_wait3A_98 : memref<128x32xf32, #tpu.memory_space<vmem>>)
      %dma_wait3A_104 = arith.constant 128 : i32
      %dma_wait3A_105 = arith.constant 0 : i32
      %dma_wait3A_106 = tpu.memref_slice %arg7[%dma_wait3A_104, %dma_wait3A_105] : memref<1024x32xf32, #tpu.memory_space<vmem>> -> memref<128x32xf32, #tpu.memory_space<vmem>>
      %dma_wait3A_107 = arith.constant 128 : i32
      %dma_wait3A_108 = tpu.memref_slice %arg5[%dma_wait3A_107] : memref<1024xi32, #tpu.memory_space<vmem>> -> memref<128xi32, #tpu.memory_space<vmem>>
      %dma_wait3A_109 = arith.constant 0 : i32
      %dma_wait3A_110 = arith.constant 0 : i32
      %dma_wait3A_111 = tpu.memref_slice %arg3[%dma_wait3A_109, %dma_wait3A_110] : memref<1000000x32xf32, #tpu.memory_space<hbm>> -> memref<1000000x32xf32, #tpu.memory_space<hbm>>
      tpu.wait_indirect_dma semaphore(%arg9 : memref<!tpu.dma_semaphore, #tpu.memory_space<semaphore_mem>>) src(%dma_wait3A_111 : memref<1000000x32xf32, #tpu.memory_space<hbm>>) dst(%dma_wait3A_106 : memref<128x32xf32, #tpu.memory_space<vmem>>)
      %dma_wait3A_112 = arith.constant 256 : i32
      %dma_wait3A_113 = arith.constant 0 : i32
      %dma_wait3A_114 = tpu.memref_slice %arg7[%dma_wait3A_112, %dma_wait3A_113] : memref<1024x32xf32, #tpu.memory_space<vmem>> -> memref<128x32xf32, #tpu.memory_space<vmem>>
      %dma_wait3A_115 = arith.constant 256 : i32
      %dma_wait3A_116 = tpu.memref_slice %arg5[%dma_wait3A_115] : memref<1024xi32, #tpu.memory_space<vmem>> -> memref<128xi32, #tpu.memory_space<vmem>>
      %dma_wait3A_117 = arith.constant 0 : i32
      %dma_wait3A_118 = arith.constant 0 : i32
      %dma_wait3A_119 = tpu.memref_slice %arg3[%dma_wait3A_117, %dma_wait3A_118] : memref<1000000x32xf32, #tpu.memory_space<hbm>> -> memref<1000000x32xf32, #tpu.memory_space<hbm>>
      tpu.wait_indirect_dma semaphore(%arg9 : memref<!tpu.dma_semaphore, #tpu.memory_space<semaphore_mem>>) src(%dma_wait3A_119 : memref<1000000x32xf32, #tpu.memory_space<hbm>>) dst(%dma_wait3A_114 : memref<128x32xf32, #tpu.memory_space<vmem>>)
      %dma_wait3A_120 = arith.constant 384 : i32
      %dma_wait3A_121 = arith.constant 0 : i32
      %dma_wait3A_122 = tpu.memref_slice %arg7[%dma_wait3A_120, %dma_wait3A_121] : memref<1024x32xf32, #tpu.memory_space<vmem>> -> memref<128x32xf32, #tpu.memory_space<vmem>>
      %dma_wait3A_123 = arith.constant 384 : i32
      %dma_wait3A_124 = tpu.memref_slice %arg5[%dma_wait3A_123] : memref<1024xi32, #tpu.memory_space<vmem>> -> memref<128xi32, #tpu.memory_space<vmem>>
      %dma_wait3A_125 = arith.constant 0 : i32
      %dma_wait3A_126 = arith.constant 0 : i32
      %dma_wait3A_127 = tpu.memref_slice %arg3[%dma_wait3A_125, %dma_wait3A_126] : memref<1000000x32xf32, #tpu.memory_space<hbm>> -> memref<1000000x32xf32, #tpu.memory_space<hbm>>
      tpu.wait_indirect_dma semaphore(%arg9 : memref<!tpu.dma_semaphore, #tpu.memory_space<semaphore_mem>>) src(%dma_wait3A_127 : memref<1000000x32xf32, #tpu.memory_space<hbm>>) dst(%dma_wait3A_122 : memref<128x32xf32, #tpu.memory_space<vmem>>)
      %dma_wait3A_128 = arith.constant 512 : i32
      %dma_wait3A_129 = arith.constant 0 : i32
      %dma_wait3A_130 = tpu.memref_slice %arg7[%dma_wait3A_128, %dma_wait3A_129] : memref<1024x32xf32, #tpu.memory_space<vmem>> -> memref<128x32xf32, #tpu.memory_space<vmem>>
      %dma_wait3A_131 = arith.constant 512 : i32
      %dma_wait3A_132 = tpu.memref_slice %arg5[%dma_wait3A_131] : memref<1024xi32, #tpu.memory_space<vmem>> -> memref<128xi32, #tpu.memory_space<vmem>>
      %dma_wait3A_133 = arith.constant 0 : i32
      %dma_wait3A_134 = arith.constant 0 : i32
      %dma_wait3A_135 = tpu.memref_slice %arg3[%dma_wait3A_133, %dma_wait3A_134] : memref<1000000x32xf32, #tpu.memory_space<hbm>> -> memref<1000000x32xf32, #tpu.memory_space<hbm>>
      tpu.wait_indirect_dma semaphore(%arg9 : memref<!tpu.dma_semaphore, #tpu.memory_space<semaphore_mem>>) src(%dma_wait3A_135 : memref<1000000x32xf32, #tpu.memory_space<hbm>>) dst(%dma_wait3A_130 : memref<128x32xf32, #tpu.memory_space<vmem>>)
      %dma_wait3A_136 = arith.constant 640 : i32
      %dma_wait3A_137 = arith.constant 0 : i32
      %dma_wait3A_138 = tpu.memref_slice %arg7[%dma_wait3A_136, %dma_wait3A_137] : memref<1024x32xf32, #tpu.memory_space<vmem>> -> memref<128x32xf32, #tpu.memory_space<vmem>>
      %dma_wait3A_139 = arith.constant 640 : i32
      %dma_wait3A_140 = tpu.memref_slice %arg5[%dma_wait3A_139] : memref<1024xi32, #tpu.memory_space<vmem>> -> memref<128xi32, #tpu.memory_space<vmem>>
      %dma_wait3A_141 = arith.constant 0 : i32
      %dma_wait3A_142 = arith.constant 0 : i32
      %dma_wait3A_143 = tpu.memref_slice %arg3[%dma_wait3A_141, %dma_wait3A_142] : memref<1000000x32xf32, #tpu.memory_space<hbm>> -> memref<1000000x32xf32, #tpu.memory_space<hbm>>
      tpu.wait_indirect_dma semaphore(%arg9 : memref<!tpu.dma_semaphore, #tpu.memory_space<semaphore_mem>>) src(%dma_wait3A_143 : memref<1000000x32xf32, #tpu.memory_space<hbm>>) dst(%dma_wait3A_138 : memref<128x32xf32, #tpu.memory_space<vmem>>)
      %dma_wait3A_144 = arith.constant 768 : i32
      %dma_wait3A_145 = arith.constant 0 : i32
      %dma_wait3A_146 = tpu.memref_slice %arg7[%dma_wait3A_144, %dma_wait3A_145] : memref<1024x32xf32, #tpu.memory_space<vmem>> -> memref<128x32xf32, #tpu.memory_space<vmem>>
      %dma_wait3A_147 = arith.constant 768 : i32
      %dma_wait3A_148 = tpu.memref_slice %arg5[%dma_wait3A_147] : memref<1024xi32, #tpu.memory_space<vmem>> -> memref<128xi32, #tpu.memory_space<vmem>>
      %dma_wait3A_149 = arith.constant 0 : i32
      %dma_wait3A_150 = arith.constant 0 : i32
      %dma_wait3A_151 = tpu.memref_slice %arg3[%dma_wait3A_149, %dma_wait3A_150] : memref<1000000x32xf32, #tpu.memory_space<hbm>> -> memref<1000000x32xf32, #tpu.memory_space<hbm>>
      tpu.wait_indirect_dma semaphore(%arg9 : memref<!tpu.dma_semaphore, #tpu.memory_space<semaphore_mem>>) src(%dma_wait3A_151 : memref<1000000x32xf32, #tpu.memory_space<hbm>>) dst(%dma_wait3A_146 : memref<128x32xf32, #tpu.memory_space<vmem>>)
      %dma_wait3A_152 = arith.constant 896 : i32
      %dma_wait3A_153 = arith.constant 0 : i32
      %dma_wait3A_154 = tpu.memref_slice %arg7[%dma_wait3A_152, %dma_wait3A_153] : memref<1024x32xf32, #tpu.memory_space<vmem>> -> memref<128x32xf32, #tpu.memory_space<vmem>>
      %dma_wait3A_155 = arith.constant 896 : i32
      %dma_wait3A_156 = tpu.memref_slice %arg5[%dma_wait3A_155] : memref<1024xi32, #tpu.memory_space<vmem>> -> memref<128xi32, #tpu.memory_space<vmem>>
      %dma_wait3A_157 = arith.constant 0 : i32
      %dma_wait3A_158 = arith.constant 0 : i32
      %dma_wait3A_159 = tpu.memref_slice %arg3[%dma_wait3A_157, %dma_wait3A_158] : memref<1000000x32xf32, #tpu.memory_space<hbm>> -> memref<1000000x32xf32, #tpu.memory_space<hbm>>
      tpu.wait_indirect_dma semaphore(%arg9 : memref<!tpu.dma_semaphore, #tpu.memory_space<semaphore_mem>>) src(%dma_wait3A_159 : memref<1000000x32xf32, #tpu.memory_space<hbm>>) dst(%dma_wait3A_154 : memref<128x32xf32, #tpu.memory_space<vmem>>)
      %mul3A_160 = arith.constant 8 : i32
      %mul3A_161 = arith.muli %add3A_87, %mul3A_160 : i32
      %add3A_162 = arith.addi %mul3A_2, %mul3A_161 : i32
      %mul3A_163 = arith.constant 128 : i32
      %mul3A_164 = arith.muli %add3A_162, %mul3A_163 : i32
      %dma_start3A_165 = arith.constant 0 : i32
      %dma_start3A_166 = tpu.memref_slice %arg4[%mul3A_164, %dma_start3A_165] : memref<3276800x32xf32, #tpu.memory_space<hbm>> -> memref<1024x32xf32, #tpu.memory_space<hbm>>
      %dma_start3A_167 = arith.constant 0 : i32
      %dma_start3A_168 = tpu.memref_slice %arg4[%mul3A_164, %dma_start3A_167] : memref<3276800x32xf32, #tpu.memory_space<hbm>> -> memref<1024x32xf32, #tpu.memory_space<hbm>>
      tpu.enqueue_dma source(%arg7 : memref<1024x32xf32, #tpu.memory_space<vmem>>) target(%dma_start3A_168 : memref<1024x32xf32, #tpu.memory_space<hbm>>) target_semaphore(%arg10 : memref<!tpu.dma_semaphore, #tpu.memory_space<semaphore_mem>>)
      %add3A_169 = arith.constant 1 : i32
      %add3A_170 = arith.addi %add3A_85, %add3A_169 : i32
      %ge3A_171 = arith.constant 1 : i32
      %ge3A_172 = arith.cmpi sge, %add3A_170, %ge3A_171 : i32
      %convert_element_type3A_173 = arith.extui %ge3A_172 : i1 to i32
      %cond3A_174 = arith.constant 0 : i32
      %cond3A_175 = arith.cmpi ne, %convert_element_type3A_173, %cond3A_174 : i32
      scf.if %cond3A_175 {
        %sub3A = arith.constant 1 : i32
        %sub3A_256 = arith.subi %add3A_170, %sub3A : i32
        %mul3A_257 = arith.constant 8 : i32
        %mul3A_258 = arith.muli %sub3A_256, %mul3A_257 : i32
        %add3A_259 = arith.addi %mul3A_2, %mul3A_258 : i32
        %mul3A_260 = arith.constant 128 : i32
        %mul3A_261 = arith.muli %add3A_259, %mul3A_260 : i32
        %dma_wait3A_262 = arith.constant 0 : i32
        %dma_wait3A_263 = tpu.memref_slice %arg4[%mul3A_261, %dma_wait3A_262] : memref<3276800x32xf32, #tpu.memory_space<hbm>> -> memref<1024x32xf32, #tpu.memory_space<hbm>>
        %dma_wait3A_264 = arith.constant 0 : i32
        %dma_wait3A_265 = tpu.memref_slice %arg4[%mul3A_261, %dma_wait3A_264] : memref<3276800x32xf32, #tpu.memory_space<hbm>> -> memref<1024x32xf32, #tpu.memory_space<hbm>>
        tpu.wait_dma2 semaphore(%arg10 : memref<!tpu.dma_semaphore, #tpu.memory_space<semaphore_mem>>) src(%arg7 : memref<1024x32xf32, #tpu.memory_space<vmem>>) dst(%dma_wait3A_265 : memref<1024x32xf32, #tpu.memory_space<hbm>>)
      } else {
      }
      %add3A_176 = arith.constant 1 : i32
      %add3A_177 = arith.addi %add3A_170, %add3A_176 : i32
      %lt3A_178 = arith.constant 100 : i32
      %lt3A_179 = arith.cmpi slt, %add3A_177, %lt3A_178 : i32
      %convert_element_type3A_180 = arith.extui %lt3A_179 : i1 to i32
      %cond3A_181 = arith.constant 0 : i32
      %cond3A_182 = arith.cmpi ne, %convert_element_type3A_180, %cond3A_181 : i32
      scf.if %cond3A_182 {
        %add3A_256 = arith.constant 1 : i32
        %add3A_257 = arith.addi %add3A_170, %add3A_256 : i32
        %mul3A_258 = arith.constant 8 : i32
        %mul3A_259 = arith.muli %add3A_257, %mul3A_258 : i32
        %add3A_260 = arith.addi %mul3A_2, %mul3A_259 : i32
        %mul3A_261 = arith.constant 128 : i32
        %mul3A_262 = arith.muli %add3A_260, %mul3A_261 : i32
        "tpu.region"() ({
          %run_scoped3A = tpu.sem_alloc : memref<!tpu.dma_semaphore, #tpu.memory_space<semaphore_mem>>
          %dma_start3A_327 = tpu.memref_slice %arg2[%mul3A_262] : memref<3276800xi32, #tpu.memory_space<hbm>> -> memref<1024xi32, #tpu.memory_space<hbm>>
          %dma_start3A_328 = tpu.memref_slice %arg2[%mul3A_262] : memref<3276800xi32, #tpu.memory_space<hbm>> -> memref<1024xi32, #tpu.memory_space<hbm>>
          tpu.enqueue_dma source(%dma_start3A_328 : memref<1024xi32, #tpu.memory_space<hbm>>) target(%arg5 : memref<1024xi32, #tpu.memory_space<vmem>>) target_semaphore(%run_scoped3A : memref<!tpu.dma_semaphore, #tpu.memory_space<semaphore_mem>>)
          %dma_wait3A_329 = tpu.memref_slice %arg2[%mul3A_262] : memref<3276800xi32, #tpu.memory_space<hbm>> -> memref<1024xi32, #tpu.memory_space<hbm>>
          %dma_wait3A_330 = tpu.memref_slice %arg2[%mul3A_262] : memref<3276800xi32, #tpu.memory_space<hbm>> -> memref<1024xi32, #tpu.memory_space<hbm>>
          tpu.wait_dma2 semaphore(%run_scoped3A : memref<!tpu.dma_semaphore, #tpu.memory_space<semaphore_mem>>) src(%dma_wait3A_330 : memref<1024xi32, #tpu.memory_space<hbm>>) dst(%arg5 : memref<1024xi32, #tpu.memory_space<vmem>>)
          tpu.yield
        }) : () -> ()
        %dma_start3A_263 = arith.constant 0 : i32
        %dma_start3A_264 = arith.constant 0 : i32
        %dma_start3A_265 = tpu.memref_slice %arg7[%dma_start3A_263, %dma_start3A_264] : memref<1024x32xf32, #tpu.memory_space<vmem>> -> memref<128x32xf32, #tpu.memory_space<vmem>>
        %dma_start3A_266 = arith.constant 0 : i32
        %dma_start3A_267 = tpu.memref_slice %arg5[%dma_start3A_266] : memref<1024xi32, #tpu.memory_space<vmem>> -> memref<128xi32, #tpu.memory_space<vmem>>
        %dma_start3A_268 = arith.constant 0 : i32
        %dma_start3A_269 = arith.constant 0 : i32
        %dma_start3A_270 = tpu.memref_slice %arg3[%dma_start3A_268, %dma_start3A_269] : memref<1000000x32xf32, #tpu.memory_space<hbm>> -> memref<1000000x32xf32, #tpu.memory_space<hbm>>
        tpu.enqueue_indirect_dma source(%dma_start3A_270 : memref<1000000x32xf32, #tpu.memory_space<hbm>>) target(%dma_start3A_265 : memref<128x32xf32, #tpu.memory_space<vmem>>) offsets(%dma_start3A_267 : memref<128xi32, #tpu.memory_space<vmem>>) semaphore(%arg9 : memref<!tpu.dma_semaphore, #tpu.memory_space<semaphore_mem>>)
        %dma_start3A_271 = arith.constant 128 : i32
        %dma_start3A_272 = arith.constant 0 : i32
        %dma_start3A_273 = tpu.memref_slice %arg7[%dma_start3A_271, %dma_start3A_272] : memref<1024x32xf32, #tpu.memory_space<vmem>> -> memref<128x32xf32, #tpu.memory_space<vmem>>
        %dma_start3A_274 = arith.constant 128 : i32
        %dma_start3A_275 = tpu.memref_slice %arg5[%dma_start3A_274] : memref<1024xi32, #tpu.memory_space<vmem>> -> memref<128xi32, #tpu.memory_space<vmem>>
        %dma_start3A_276 = arith.constant 0 : i32
        %dma_start3A_277 = arith.constant 0 : i32
        %dma_start3A_278 = tpu.memref_slice %arg3[%dma_start3A_276, %dma_start3A_277] : memref<1000000x32xf32, #tpu.memory_space<hbm>> -> memref<1000000x32xf32, #tpu.memory_space<hbm>>
        tpu.enqueue_indirect_dma source(%dma_start3A_278 : memref<1000000x32xf32, #tpu.memory_space<hbm>>) target(%dma_start3A_273 : memref<128x32xf32, #tpu.memory_space<vmem>>) offsets(%dma_start3A_275 : memref<128xi32, #tpu.memory_space<vmem>>) semaphore(%arg9 : memref<!tpu.dma_semaphore, #tpu.memory_space<semaphore_mem>>)
        %dma_start3A_279 = arith.constant 256 : i32
        %dma_start3A_280 = arith.constant 0 : i32
        %dma_start3A_281 = tpu.memref_slice %arg7[%dma_start3A_279, %dma_start3A_280] : memref<1024x32xf32, #tpu.memory_space<vmem>> -> memref<128x32xf32, #tpu.memory_space<vmem>>
        %dma_start3A_282 = arith.constant 256 : i32
        %dma_start3A_283 = tpu.memref_slice %arg5[%dma_start3A_282] : memref<1024xi32, #tpu.memory_space<vmem>> -> memref<128xi32, #tpu.memory_space<vmem>>
        %dma_start3A_284 = arith.constant 0 : i32
        %dma_start3A_285 = arith.constant 0 : i32
        %dma_start3A_286 = tpu.memref_slice %arg3[%dma_start3A_284, %dma_start3A_285] : memref<1000000x32xf32, #tpu.memory_space<hbm>> -> memref<1000000x32xf32, #tpu.memory_space<hbm>>
        tpu.enqueue_indirect_dma source(%dma_start3A_286 : memref<1000000x32xf32, #tpu.memory_space<hbm>>) target(%dma_start3A_281 : memref<128x32xf32, #tpu.memory_space<vmem>>) offsets(%dma_start3A_283 : memref<128xi32, #tpu.memory_space<vmem>>) semaphore(%arg9 : memref<!tpu.dma_semaphore, #tpu.memory_space<semaphore_mem>>)
        %dma_start3A_287 = arith.constant 384 : i32
        %dma_start3A_288 = arith.constant 0 : i32
        %dma_start3A_289 = tpu.memref_slice %arg7[%dma_start3A_287, %dma_start3A_288] : memref<1024x32xf32, #tpu.memory_space<vmem>> -> memref<128x32xf32, #tpu.memory_space<vmem>>
        %dma_start3A_290 = arith.constant 384 : i32
        %dma_start3A_291 = tpu.memref_slice %arg5[%dma_start3A_290] : memref<1024xi32, #tpu.memory_space<vmem>> -> memref<128xi32, #tpu.memory_space<vmem>>
        %dma_start3A_292 = arith.constant 0 : i32
        %dma_start3A_293 = arith.constant 0 : i32
        %dma_start3A_294 = tpu.memref_slice %arg3[%dma_start3A_292, %dma_start3A_293] : memref<1000000x32xf32, #tpu.memory_space<hbm>> -> memref<1000000x32xf32, #tpu.memory_space<hbm>>
        tpu.enqueue_indirect_dma source(%dma_start3A_294 : memref<1000000x32xf32, #tpu.memory_space<hbm>>) target(%dma_start3A_289 : memref<128x32xf32, #tpu.memory_space<vmem>>) offsets(%dma_start3A_291 : memref<128xi32, #tpu.memory_space<vmem>>) semaphore(%arg9 : memref<!tpu.dma_semaphore, #tpu.memory_space<semaphore_mem>>)
        %dma_start3A_295 = arith.constant 512 : i32
        %dma_start3A_296 = arith.constant 0 : i32
        %dma_start3A_297 = tpu.memref_slice %arg7[%dma_start3A_295, %dma_start3A_296] : memref<1024x32xf32, #tpu.memory_space<vmem>> -> memref<128x32xf32, #tpu.memory_space<vmem>>
        %dma_start3A_298 = arith.constant 512 : i32
        %dma_start3A_299 = tpu.memref_slice %arg5[%dma_start3A_298] : memref<1024xi32, #tpu.memory_space<vmem>> -> memref<128xi32, #tpu.memory_space<vmem>>
        %dma_start3A_300 = arith.constant 0 : i32
        %dma_start3A_301 = arith.constant 0 : i32
        %dma_start3A_302 = tpu.memref_slice %arg3[%dma_start3A_300, %dma_start3A_301] : memref<1000000x32xf32, #tpu.memory_space<hbm>> -> memref<1000000x32xf32, #tpu.memory_space<hbm>>
        tpu.enqueue_indirect_dma source(%dma_start3A_302 : memref<1000000x32xf32, #tpu.memory_space<hbm>>) target(%dma_start3A_297 : memref<128x32xf32, #tpu.memory_space<vmem>>) offsets(%dma_start3A_299 : memref<128xi32, #tpu.memory_space<vmem>>) semaphore(%arg9 : memref<!tpu.dma_semaphore, #tpu.memory_space<semaphore_mem>>)
        %dma_start3A_303 = arith.constant 640 : i32
        %dma_start3A_304 = arith.constant 0 : i32
        %dma_start3A_305 = tpu.memref_slice %arg7[%dma_start3A_303, %dma_start3A_304] : memref<1024x32xf32, #tpu.memory_space<vmem>> -> memref<128x32xf32, #tpu.memory_space<vmem>>
        %dma_start3A_306 = arith.constant 640 : i32
        %dma_start3A_307 = tpu.memref_slice %arg5[%dma_start3A_306] : memref<1024xi32, #tpu.memory_space<vmem>> -> memref<128xi32, #tpu.memory_space<vmem>>
        %dma_start3A_308 = arith.constant 0 : i32
        %dma_start3A_309 = arith.constant 0 : i32
        %dma_start3A_310 = tpu.memref_slice %arg3[%dma_start3A_308, %dma_start3A_309] : memref<1000000x32xf32, #tpu.memory_space<hbm>> -> memref<1000000x32xf32, #tpu.memory_space<hbm>>
        tpu.enqueue_indirect_dma source(%dma_start3A_310 : memref<1000000x32xf32, #tpu.memory_space<hbm>>) target(%dma_start3A_305 : memref<128x32xf32, #tpu.memory_space<vmem>>) offsets(%dma_start3A_307 : memref<128xi32, #tpu.memory_space<vmem>>) semaphore(%arg9 : memref<!tpu.dma_semaphore, #tpu.memory_space<semaphore_mem>>)
        %dma_start3A_311 = arith.constant 768 : i32
        %dma_start3A_312 = arith.constant 0 : i32
        %dma_start3A_313 = tpu.memref_slice %arg7[%dma_start3A_311, %dma_start3A_312] : memref<1024x32xf32, #tpu.memory_space<vmem>> -> memref<128x32xf32, #tpu.memory_space<vmem>>
        %dma_start3A_314 = arith.constant 768 : i32
        %dma_start3A_315 = tpu.memref_slice %arg5[%dma_start3A_314] : memref<1024xi32, #tpu.memory_space<vmem>> -> memref<128xi32, #tpu.memory_space<vmem>>
        %dma_start3A_316 = arith.constant 0 : i32
        %dma_start3A_317 = arith.constant 0 : i32
        %dma_start3A_318 = tpu.memref_slice %arg3[%dma_start3A_316, %dma_start3A_317] : memref<1000000x32xf32, #tpu.memory_space<hbm>> -> memref<1000000x32xf32, #tpu.memory_space<hbm>>
        tpu.enqueue_indirect_dma source(%dma_start3A_318 : memref<1000000x32xf32, #tpu.memory_space<hbm>>) target(%dma_start3A_313 : memref<128x32xf32, #tpu.memory_space<vmem>>) offsets(%dma_start3A_315 : memref<128xi32, #tpu.memory_space<vmem>>) semaphore(%arg9 : memref<!tpu.dma_semaphore, #tpu.memory_space<semaphore_mem>>)
        %dma_start3A_319 = arith.constant 896 : i32
        %dma_start3A_320 = arith.constant 0 : i32
        %dma_start3A_321 = tpu.memref_slice %arg7[%dma_start3A_319, %dma_start3A_320] : memref<1024x32xf32, #tpu.memory_space<vmem>> -> memref<128x32xf32, #tpu.memory_space<vmem>>
        %dma_start3A_322 = arith.constant 896 : i32
        %dma_start3A_323 = tpu.memref_slice %arg5[%dma_start3A_322] : memref<1024xi32, #tpu.memory_space<vmem>> -> memref<128xi32, #tpu.memory_space<vmem>>
        %dma_start3A_324 = arith.constant 0 : i32
        %dma_start3A_325 = arith.constant 0 : i32
        %dma_start3A_326 = tpu.memref_slice %arg3[%dma_start3A_324, %dma_start3A_325] : memref<1000000x32xf32, #tpu.memory_space<hbm>> -> memref<1000000x32xf32, #tpu.memory_space<hbm>>
        tpu.enqueue_indirect_dma source(%dma_start3A_326 : memref<1000000x32xf32, #tpu.memory_space<hbm>>) target(%dma_start3A_321 : memref<128x32xf32, #tpu.memory_space<vmem>>) offsets(%dma_start3A_323 : memref<128xi32, #tpu.memory_space<vmem>>) semaphore(%arg9 : memref<!tpu.dma_semaphore, #tpu.memory_space<semaphore_mem>>)
      } else {
      }
      %dma_wait3A_183 = arith.constant 0 : i32
      %dma_wait3A_184 = arith.constant 0 : i32
      %dma_wait3A_185 = tpu.memref_slice %arg8[%dma_wait3A_183, %dma_wait3A_184] : memref<1024x32xf32, #tpu.memory_space<vmem>> -> memref<128x32xf32, #tpu.memory_space<vmem>>
      %dma_wait3A_186 = arith.constant 0 : i32
      %dma_wait3A_187 = tpu.memref_slice %arg6[%dma_wait3A_186] : memref<1024xi32, #tpu.memory_space<vmem>> -> memref<128xi32, #tpu.memory_space<vmem>>
      %dma_wait3A_188 = arith.constant 0 : i32
      %dma_wait3A_189 = arith.constant 0 : i32
      %dma_wait3A_190 = tpu.memref_slice %arg3[%dma_wait3A_188, %dma_wait3A_189] : memref<1000000x32xf32, #tpu.memory_space<hbm>> -> memref<1000000x32xf32, #tpu.memory_space<hbm>>
      tpu.wait_indirect_dma semaphore(%arg9 : memref<!tpu.dma_semaphore, #tpu.memory_space<semaphore_mem>>) src(%dma_wait3A_190 : memref<1000000x32xf32, #tpu.memory_space<hbm>>) dst(%dma_wait3A_185 : memref<128x32xf32, #tpu.memory_space<vmem>>)
      %dma_wait3A_191 = arith.constant 128 : i32
      %dma_wait3A_192 = arith.constant 0 : i32
      %dma_wait3A_193 = tpu.memref_slice %arg8[%dma_wait3A_191, %dma_wait3A_192] : memref<1024x32xf32, #tpu.memory_space<vmem>> -> memref<128x32xf32, #tpu.memory_space<vmem>>
      %dma_wait3A_194 = arith.constant 128 : i32
      %dma_wait3A_195 = tpu.memref_slice %arg6[%dma_wait3A_194] : memref<1024xi32, #tpu.memory_space<vmem>> -> memref<128xi32, #tpu.memory_space<vmem>>
      %dma_wait3A_196 = arith.constant 0 : i32
      %dma_wait3A_197 = arith.constant 0 : i32
      %dma_wait3A_198 = tpu.memref_slice %arg3[%dma_wait3A_196, %dma_wait3A_197] : memref<1000000x32xf32, #tpu.memory_space<hbm>> -> memref<1000000x32xf32, #tpu.memory_space<hbm>>
      tpu.wait_indirect_dma semaphore(%arg9 : memref<!tpu.dma_semaphore, #tpu.memory_space<semaphore_mem>>) src(%dma_wait3A_198 : memref<1000000x32xf32, #tpu.memory_space<hbm>>) dst(%dma_wait3A_193 : memref<128x32xf32, #tpu.memory_space<vmem>>)
      %dma_wait3A_199 = arith.constant 256 : i32
      %dma_wait3A_200 = arith.constant 0 : i32
      %dma_wait3A_201 = tpu.memref_slice %arg8[%dma_wait3A_199, %dma_wait3A_200] : memref<1024x32xf32, #tpu.memory_space<vmem>> -> memref<128x32xf32, #tpu.memory_space<vmem>>
      %dma_wait3A_202 = arith.constant 256 : i32
      %dma_wait3A_203 = tpu.memref_slice %arg6[%dma_wait3A_202] : memref<1024xi32, #tpu.memory_space<vmem>> -> memref<128xi32, #tpu.memory_space<vmem>>
      %dma_wait3A_204 = arith.constant 0 : i32
      %dma_wait3A_205 = arith.constant 0 : i32
      %dma_wait3A_206 = tpu.memref_slice %arg3[%dma_wait3A_204, %dma_wait3A_205] : memref<1000000x32xf32, #tpu.memory_space<hbm>> -> memref<1000000x32xf32, #tpu.memory_space<hbm>>
      tpu.wait_indirect_dma semaphore(%arg9 : memref<!tpu.dma_semaphore, #tpu.memory_space<semaphore_mem>>) src(%dma_wait3A_206 : memref<1000000x32xf32, #tpu.memory_space<hbm>>) dst(%dma_wait3A_201 : memref<128x32xf32, #tpu.memory_space<vmem>>)
      %dma_wait3A_207 = arith.constant 384 : i32
      %dma_wait3A_208 = arith.constant 0 : i32
      %dma_wait3A_209 = tpu.memref_slice %arg8[%dma_wait3A_207, %dma_wait3A_208] : memref<1024x32xf32, #tpu.memory_space<vmem>> -> memref<128x32xf32, #tpu.memory_space<vmem>>
      %dma_wait3A_210 = arith.constant 384 : i32
      %dma_wait3A_211 = tpu.memref_slice %arg6[%dma_wait3A_210] : memref<1024xi32, #tpu.memory_space<vmem>> -> memref<128xi32, #tpu.memory_space<vmem>>
      %dma_wait3A_212 = arith.constant 0 : i32
      %dma_wait3A_213 = arith.constant 0 : i32
      %dma_wait3A_214 = tpu.memref_slice %arg3[%dma_wait3A_212, %dma_wait3A_213] : memref<1000000x32xf32, #tpu.memory_space<hbm>> -> memref<1000000x32xf32, #tpu.memory_space<hbm>>
      tpu.wait_indirect_dma semaphore(%arg9 : memref<!tpu.dma_semaphore, #tpu.memory_space<semaphore_mem>>) src(%dma_wait3A_214 : memref<1000000x32xf32, #tpu.memory_space<hbm>>) dst(%dma_wait3A_209 : memref<128x32xf32, #tpu.memory_space<vmem>>)
      %dma_wait3A_215 = arith.constant 512 : i32
      %dma_wait3A_216 = arith.constant 0 : i32
      %dma_wait3A_217 = tpu.memref_slice %arg8[%dma_wait3A_215, %dma_wait3A_216] : memref<1024x32xf32, #tpu.memory_space<vmem>> -> memref<128x32xf32, #tpu.memory_space<vmem>>
      %dma_wait3A_218 = arith.constant 512 : i32
      %dma_wait3A_219 = tpu.memref_slice %arg6[%dma_wait3A_218] : memref<1024xi32, #tpu.memory_space<vmem>> -> memref<128xi32, #tpu.memory_space<vmem>>
      %dma_wait3A_220 = arith.constant 0 : i32
      %dma_wait3A_221 = arith.constant 0 : i32
      %dma_wait3A_222 = tpu.memref_slice %arg3[%dma_wait3A_220, %dma_wait3A_221] : memref<1000000x32xf32, #tpu.memory_space<hbm>> -> memref<1000000x32xf32, #tpu.memory_space<hbm>>
      tpu.wait_indirect_dma semaphore(%arg9 : memref<!tpu.dma_semaphore, #tpu.memory_space<semaphore_mem>>) src(%dma_wait3A_222 : memref<1000000x32xf32, #tpu.memory_space<hbm>>) dst(%dma_wait3A_217 : memref<128x32xf32, #tpu.memory_space<vmem>>)
      %dma_wait3A_223 = arith.constant 640 : i32
      %dma_wait3A_224 = arith.constant 0 : i32
      %dma_wait3A_225 = tpu.memref_slice %arg8[%dma_wait3A_223, %dma_wait3A_224] : memref<1024x32xf32, #tpu.memory_space<vmem>> -> memref<128x32xf32, #tpu.memory_space<vmem>>
      %dma_wait3A_226 = arith.constant 640 : i32
      %dma_wait3A_227 = tpu.memref_slice %arg6[%dma_wait3A_226] : memref<1024xi32, #tpu.memory_space<vmem>> -> memref<128xi32, #tpu.memory_space<vmem>>
      %dma_wait3A_228 = arith.constant 0 : i32
      %dma_wait3A_229 = arith.constant 0 : i32
      %dma_wait3A_230 = tpu.memref_slice %arg3[%dma_wait3A_228, %dma_wait3A_229] : memref<1000000x32xf32, #tpu.memory_space<hbm>> -> memref<1000000x32xf32, #tpu.memory_space<hbm>>
      tpu.wait_indirect_dma semaphore(%arg9 : memref<!tpu.dma_semaphore, #tpu.memory_space<semaphore_mem>>) src(%dma_wait3A_230 : memref<1000000x32xf32, #tpu.memory_space<hbm>>) dst(%dma_wait3A_225 : memref<128x32xf32, #tpu.memory_space<vmem>>)
      %dma_wait3A_231 = arith.constant 768 : i32
      %dma_wait3A_232 = arith.constant 0 : i32
      %dma_wait3A_233 = tpu.memref_slice %arg8[%dma_wait3A_231, %dma_wait3A_232] : memref<1024x32xf32, #tpu.memory_space<vmem>> -> memref<128x32xf32, #tpu.memory_space<vmem>>
      %dma_wait3A_234 = arith.constant 768 : i32
      %dma_wait3A_235 = tpu.memref_slice %arg6[%dma_wait3A_234] : memref<1024xi32, #tpu.memory_space<vmem>> -> memref<128xi32, #tpu.memory_space<vmem>>
      %dma_wait3A_236 = arith.constant 0 : i32
      %dma_wait3A_237 = arith.constant 0 : i32
      %dma_wait3A_238 = tpu.memref_slice %arg3[%dma_wait3A_236, %dma_wait3A_237] : memref<1000000x32xf32, #tpu.memory_space<hbm>> -> memref<1000000x32xf32, #tpu.memory_space<hbm>>
      tpu.wait_indirect_dma semaphore(%arg9 : memref<!tpu.dma_semaphore, #tpu.memory_space<semaphore_mem>>) src(%dma_wait3A_238 : memref<1000000x32xf32, #tpu.memory_space<hbm>>) dst(%dma_wait3A_233 : memref<128x32xf32, #tpu.memory_space<vmem>>)
      %dma_wait3A_239 = arith.constant 896 : i32
      %dma_wait3A_240 = arith.constant 0 : i32
      %dma_wait3A_241 = tpu.memref_slice %arg8[%dma_wait3A_239, %dma_wait3A_240] : memref<1024x32xf32, #tpu.memory_space<vmem>> -> memref<128x32xf32, #tpu.memory_space<vmem>>
      %dma_wait3A_242 = arith.constant 896 : i32
      %dma_wait3A_243 = tpu.memref_slice %arg6[%dma_wait3A_242] : memref<1024xi32, #tpu.memory_space<vmem>> -> memref<128xi32, #tpu.memory_space<vmem>>
      %dma_wait3A_244 = arith.constant 0 : i32
      %dma_wait3A_245 = arith.constant 0 : i32
      %dma_wait3A_246 = tpu.memref_slice %arg3[%dma_wait3A_244, %dma_wait3A_245] : memref<1000000x32xf32, #tpu.memory_space<hbm>> -> memref<1000000x32xf32, #tpu.memory_space<hbm>>
      tpu.wait_indirect_dma semaphore(%arg9 : memref<!tpu.dma_semaphore, #tpu.memory_space<semaphore_mem>>) src(%dma_wait3A_246 : memref<1000000x32xf32, #tpu.memory_space<hbm>>) dst(%dma_wait3A_241 : memref<128x32xf32, #tpu.memory_space<vmem>>)
      %mul3A_247 = arith.constant 8 : i32
      %mul3A_248 = arith.muli %add3A_170, %mul3A_247 : i32
      %add3A_249 = arith.addi %mul3A_2, %mul3A_248 : i32
      %mul3A_250 = arith.constant 128 : i32
      %mul3A_251 = arith.muli %add3A_249, %mul3A_250 : i32
      %dma_start3A_252 = arith.constant 0 : i32
      %dma_start3A_253 = tpu.memref_slice %arg4[%mul3A_251, %dma_start3A_252] : memref<3276800x32xf32, #tpu.memory_space<hbm>> -> memref<1024x32xf32, #tpu.memory_space<hbm>>
      %dma_start3A_254 = arith.constant 0 : i32
      %dma_start3A_255 = tpu.memref_slice %arg4[%mul3A_251, %dma_start3A_254] : memref<3276800x32xf32, #tpu.memory_space<hbm>> -> memref<1024x32xf32, #tpu.memory_space<hbm>>
      tpu.enqueue_dma source(%arg8 : memref<1024x32xf32, #tpu.memory_space<vmem>>) target(%dma_start3A_255 : memref<1024x32xf32, #tpu.memory_space<hbm>>) target_semaphore(%arg10 : memref<!tpu.dma_semaphore, #tpu.memory_space<semaphore_mem>>)
    }
    %scan3A_73 = arith.constant 50 : i32
    %add3A_74 = arith.constant 792 : i32
    %add3A_75 = arith.addi %mul3A_2, %add3A_74 : i32
    %mul3A_76 = arith.constant 128 : i32
    %mul3A_77 = arith.muli %add3A_75, %mul3A_76 : i32
    %dma_wait3A = arith.constant 0 : i32
    %dma_wait3A_78 = tpu.memref_slice %arg4[%mul3A_77, %dma_wait3A] : memref<3276800x32xf32, #tpu.memory_space<hbm>> -> memref<1024x32xf32, #tpu.memory_space<hbm>>
    %dma_wait3A_79 = arith.constant 0 : i32
    %dma_wait3A_80 = tpu.memref_slice %arg4[%mul3A_77, %dma_wait3A_79] : memref<3276800x32xf32, #tpu.memory_space<hbm>> -> memref<1024x32xf32, #tpu.memory_space<hbm>>
    tpu.wait_dma2 semaphore(%arg10 : memref<!tpu.dma_semaphore, #tpu.memory_space<semaphore_mem>>) src(%arg8 : memref<1024x32xf32, #tpu.memory_space<vmem>>) dst(%dma_wait3A_80 : memref<1024x32xf32, #tpu.memory_space<hbm>>)
    return
  }
}

module attributes {stable_mosaic.version = 14 : i64} {
  func.func @_relayout_body(%arg0: i32, %arg1: memref<12800x128xf32, #tpu.memory_space<vmem>>, %arg2: memref<50x128x256xf32, #tpu.memory_space<vmem>>) attributes {dimension_semantics = [#tpu.dimension_semantics<arbitrary>], iteration_bounds = array<i64: 64>, scalar_prefetch = 0 : i64, scratch_operands = 0 : i64, tpu.core_type = #tpu.core_type<tc>, window_params = [{transform_indices = @transform_0, window_bounds = array<i64: 12800, 128>}, {transform_indices = @transform_1, window_bounds = array<i64: 50, 128, 256>}]} {
    %get3A = arith.constant 0 : index
    %get3A_0 = arith.constant 0 : index
    %get3A_1 = vector.load %arg1[%get3A, %get3A_0] : memref<12800x128xf32, #tpu.memory_space<vmem>>, vector<12800x128xf32>
    %reshape3A = vector.shape_cast %get3A_1 : vector<12800x128xf32> to vector<256x50x128xf32>
    %transpose3A = tpu.transpose %reshape3A, [1, 0, 2] : vector<256x50x128xf32> -> vector<50x256x128xf32>
    %transpose3A_2 = tpu.transpose %transpose3A, [0, 2, 1] : vector<50x256x128xf32> -> vector<50x128x256xf32>
    %swap3A = arith.constant 0 : index
    %swap3A_3 = arith.constant 0 : index
    %swap3A_4 = arith.constant 0 : index
    %swap3A_5 = vector.load %arg2[%swap3A, %swap3A_3, %swap3A_4] : memref<50x128x256xf32, #tpu.memory_space<vmem>>, vector<50x128x256xf32>
    tpu.vector_store %arg2[%swap3A, %swap3A_3, %swap3A_4], %transpose3A_2 {strides = array<i32>} : memref<50x128x256xf32, #tpu.memory_space<vmem>>, vector<50x128x256xf32>,
    return
  }
  func.func @transform_0(%arg0: i32) -> (i32, i32) {
    %c0_i32 = arith.constant 0 : i32
    %c0_i32_0 = arith.constant 0 : i32
    return %arg0, %c0_i32 : i32, i32
  }
  func.func @transform_1(%arg0: i32) -> (i32, i32, i32) {
    %c0_i32 = arith.constant 0 : i32
    %c0_i32_0 = arith.constant 0 : i32
    %c0_i32_1 = arith.constant 0 : i32
    return %c0_i32, %c0_i32_0, %arg0 : i32, i32, i32
  }
}

</mosaic_0001>

<sc_bundles>
// kernel: _emb_lookup.4.cloned.1.call-start
scs
__scs_entry_jumppad:
0x0: {  	(pc) =	sbr.rel $0x88, $3  }
0x1: {  	(tag) =	ssettag $0x0;
	lr =	simm.s32 $0x1  }
0x2: {  	[smem:$0x3F9F] =	sst lr;
	_ =	strace $0xD0000000  }
0x3: {  	_ = 	snop  }
0x4: {  	_ = 	snop  }
0x5: {  	_ = 	snop  }
0x6: {  	_ = 	snop  }
0x7: {  	_ = 	snop  }
__scs_overlays_trampoline_lowered:
0x8: {  	[smem:$0x3FAE] =	sst s0  }
0x9: {  	[smem:$0x3FAF] =	sst s1  }
0xa: {  	[smem:$0x3FB0] =	sst s2  }
0xb: {  	[smem:$0x3FB1] =	sst s3  }
0xc: {  	[smem:$0x3FB2] =	sst s4  }
0xd: {  	[smem:$0x3FB3] =	sst s5  }
0xe: {  	[smem:$0x3FB4] =	sst s6  }
0xf: {  	[smem:$0x3FB5] =	sst s7  }
0x10: {  	[smem:$0x3FB6] =	sst s8  }
0x11: {  	[smem:$0x3FB7] =	sst s9;
	s0 =	simm.s32 @!p0 $0x0  }
0x12: {  	s1 =	sld [smem:$0x3F9D];
	s0 =	simm.s32 @p0 $0x1  }
0x13: {  	[smem:$0x3FB8] =	sst s0;
	s0 =	simm.s32 @!p1 $0x0  }
0x14: {  	s2 =	sld [smem:$0x3F9C];
	s0 =	simm.s32 @p1 $0x1  }
0x15: {  	[smem:$0x3FB9] =	sst s0;
	s0 =	simm.s32 @!p2 $0x0  }
0x16: {  	s3 =	sld [smem:$0x3FDB];
	s0 =	simm.s32 @p2 $0x1  }
0x17: {  	s4 =	simm.s32 $0x1BF5;
	[smem:$0x3FBB] =	sst s0  }
0x18: {  	s0 =	sld [smem:$0x3F9E];
	_ =	swait.ge [sflag:s4], $0x0  }
0x19: {  	s7 =	sld [smem:$0x3F9F]  }
0x1a: {  	s8 =	sadd.s32 $0xFFFFE003, lr  }
0x1b: {  	s9 =	sadd.s32 $0xFFFFFEF7, lr;
	s5 =	simm.s32 $0xFFFFFFFF;
	p2 =	slt.u32 s8, $0xFFFFF086  }
0x1c: {  	p1 =	slt.u32 s9, $0xF7A;
	s5 =	simm.s32 @!p2 $0x0  }
0x1d: {  	s5 =	simm.s32 @p1 $0x1;
	p0 =	seq.s32 s7, s2  }
0x1e: {  	s7 =	smul.u32 @!p0 $0xF7A, s2;
	p2 =	seq.s32 @!p0 s5, $0x0  }
0x1f: {  	s9 =	smul.u32 $0xF7A, s1;
	s8 =	simm.s32 @!p0 $0x1BF5;
	p2 =	por !p2, p0  }
0x20: {  	[sflag:s8] =	ssyncset.s32 @!p0 $0xFFFFF086;
	s6 =	sadd.s32 @!p0 s3, s7;
	s7 =	simm.s32 @!p0 $0x108  }
0x21: {  	s3 =	sadd.s32 s3, s9;
	s6 =	sadd.s32 @!p0 $0x88, s6;
	s7 =	simm.s32 @p2 $0x1082  }
0x22: {  	[simem:s7], [sflag:s8] =	dma.local @!p0 [hbm:s6], $0xF7A  }
0x23: {  	s9 =	sor.u32 $0xD0000000, s2;
	s6 =	simm.s32 $0x108;
	_ =	swait.ge @!p0 [sflag:s8], $0x0  }
0x24: {  	s3 =	sadd.s32 $0x88, s3;
	s6 =	simm.s32 @!p1 $0x1082;
	[sflag:s4] =	ssyncset.s32 $0xFFFFF086  }
0x25: {  	[simem:s6], [sflag:s4] =	dma.local [hbm:s3], $0xF7A  }
0x26: {  	[smem:$0x3F9F] =	sst s1;
	(tag) =	ssettag s2;
	_ =	strace s9  }
0x27: {  	s1 =	sld [smem:$0x3FAF]  }
0x28: {  	s2 =	sld [smem:$0x3FB0]  }
0x29: {  	s4 =	sld [smem:$0x3FB2]  }
0x2a: {  	p0 =	seq.s32 s5, $0x0;
	s5 =	sld [smem:$0x3FB3]  }
0x2b: {  	s6 =	sld [smem:$0x3FB4]  }
0x2c: {  	s7 =	sld [smem:$0x3FB5]  }
0x2d: {  	s3 =	simm.s32 $0x108;
	s8 =	sld [smem:$0x3FB6]  }
0x2e: {  	s3 =	simm.s32 @!p0 $0x1082;
	s9 =	sld [smem:$0x3FB7]  }
0x2f: {  	lr =	sadd.s32 s0, s3;
	s0 =	sld [smem:$0x3FAE]  }
0x30: {  	s3 =	sld [smem:$0x3FB1]  }
0x31: {  	[smem:$0x3FBA] =	sst s10  }
0x32: {  	s10 =	sld [smem:$0x3FB8];
	_ =	sdelay $0x3  }
0x33: {  	p0 =	seq.s32 s10, $0x1;
	s10 =	sld [smem:$0x3FBA];
	_ =	sdelay $0x3  }
0x34: {  	[smem:$0x3FBA] =	sst s10  }
0x35: {  	s10 =	sld [smem:$0x3FB9];
	_ =	sdelay $0x3  }
0x36: {  	p1 =	seq.s32 s10, $0x1;
	s10 =	sld [smem:$0x3FBA];
	_ =	sdelay $0x3  }
0x37: {  	[smem:$0x3FBA] =	sst s10  }
0x38: {  	s10 =	sld [smem:$0x3FBB]  }
0x39: {  	_ = 	snop;
	(pc) =	sbr.ind lr, $3  }
0x3a: {  	_ = 	snop  }
0x3b: {  	_ = 	snop  }
0x3c: {  	p2 =	seq.s32 s10, $0x1;
	s10 =	sld [smem:$0x3FBA]  }
0x3d: {  	_ =	shalt  }
0x3e: {  	_ =	shalt  }
0x3f: {  	_ =	shalt  }
0x40: {  	_ =	shalt  }
0x41: {  	_ =	shalt  }
0x42: {  	_ =	shalt  }
0x43: {  	_ =	shalt  }
0x44: {  	_ =	shalt  }
0x45: {  	_ =	shalt  }
0x46: {  	_ =	shalt  }
0x47: {  	_ =	shalt  }
0x48: {  	_ =	shalt  }
0x49: {  	_ =	shalt  }
0x4a: {  	_ =	shalt  }
0x4b: {  	_ =	shalt  }
0x4c: {  	_ =	shalt  }
0x4d: {  	_ =	shalt  }
0x4e: {  	_ =	shalt  }
0x4f: {  	_ =	shalt  }
0x50: {  	_ =	shalt  }
0x51: {  	_ =	shalt  }
0x52: {  	_ =	shalt  }
0x53: {  	_ =	shalt  }
0x54: {  	_ =	shalt  }
0x55: {  	_ =	shalt  }
0x56: {  	_ =	shalt  }
0x57: {  	_ =	shalt  }
0x58: {  	_ =	shalt  }
0x59: {  	_ =	shalt  }
0x5a: {  	_ =	shalt  }
0x5b: {  	_ =	shalt  }
0x5c: {  	_ =	shalt  }
0x5d: {  	_ =	shalt  }
0x5e: {  	_ =	shalt  }
0x5f: {  	_ =	shalt  }
0x60: {  	_ =	shalt  }
0x61: {  	_ =	shalt  }
0x62: {  	_ =	shalt  }
0x63: {  	_ =	shalt  }
0x64: {  	_ =	shalt  }
0x65: {  	_ =	shalt  }
0x66: {  	_ =	shalt  }
0x67: {  	_ =	shalt  }
0x68: {  	_ =	shalt  }
0x69: {  	_ =	shalt  }
0x6a: {  	_ =	shalt  }
0x6b: {  	_ =	shalt  }
0x6c: {  	_ =	shalt  }
0x6d: {  	_ =	shalt  }
0x6e: {  	_ =	shalt  }
0x6f: {  	_ =	shalt  }
0x70: {  	_ =	shalt  }
0x71: {  	_ =	shalt  }
0x72: {  	_ =	shalt  }
0x73: {  	_ =	shalt  }
0x74: {  	_ =	shalt  }
0x75: {  	_ =	shalt  }
0x76: {  	_ =	shalt  }
0x77: {  	_ =	shalt  }
0x78: {  	_ =	shalt  }
0x79: {  	_ =	shalt  }
0x7a: {  	_ =	shalt  }
0x7b: {  	_ =	shalt  }
0x7c: {  	_ =	shalt  }
0x7d: {  	_ =	shalt  }
0x7e: {  	_ =	shalt  }
0x7f: {  	_ =	shalt  }
0x80: {  	_ =	shalt  }
0x81: {  	_ =	shalt  }
0x82: {  	_ =	shalt  }
0x83: {  	_ =	shalt  }
0x84: {  	_ =	shalt  }
0x85: {  	_ =	shalt  }
0x86: {  	_ =	shalt  }
0x87: {  	_ =	shalt  }
.Lfunc_end0:
.L_simem_size_0:
called_computation_lowered:
.L_overlay_start_0:
0x88: {  	s2 =	sld [smem:$0x3FD9]  }
0x89: {  	s3 =	sld [smem:$0x3FFE];
	_ =	sdelay $0x1  }
0x8a: {  	s1 =	srdreg.scid  }
0x8b: {  	s0 =	sand.u32 $0x1, s1  }
0x8c: {  	s17 =	sshll.u32 s0, $0xA;
	s2 =	sadd.s32 s3, s2  }
0x8d: {  	s2 =	sadd.s32 s2, s17  }
0x8e: {  	[smem:$0x3FC6] =	sst s2  }
0x8f: {  	_ = 	snop  }
0x90: {  	s2 =	sld [smem:$0x3FD0];
	(tm) =	ssettm $0x1  }
0x91: {  	s18 =	sld [smem:$0x3FFB];
	_ =	sdelay $0x3  }
0x92: {  	_ =	strace s18  }
0x93: {  	s3 =	sld [smem:$0x3FFC];
	_ =	sdelay $0x3  }
0x94: {  	_ =	strace s3  }
0x95: {  	s3 =	sld [smem:$0x3FFD];
	_ =	sdelay $0x3  }
0x96: {  	_ =	strace s3  }
0x97: {  	_ =	strace $0x8FFFFFFF  }
0x98: {  	s19 =	sld [smem:$0x3FDB];
	_ =	sdelay $0x1  }
0x99: {  	s4 =	simm.s32 $_scs_section_size  }
0x9a: {  	s5 =	simm.s32 $_size__tile_overlayer_lowered;
	s6 =	simm.s32 $_tile_overlayer_lowered  }
0x9b: {  	s22 =	simm.s32 $0x1BFF;
	s21 =	sshll.u32 s6, $0x1;
	s3 =	sadd.s32 s4, s19  }
0x9c: {  	s7 =	simm.s32 $0x0;
	s20 =	sshll.u32 s5, $0x1;
	s5 =	sadd.s32 s21, s3  }
0x9d: {  	[timem:s7], [sflag:s22] =	dma.local [hbm:s5], s20  }
0x9e: {  	_ =	swait.ge [sflag:s22], s20  }
0x9f: {  	s4 =	ssub.s32 $0x0, s20;
	[sflag:s22] =	ssyncset.done $0x0  }
0xa0: {  	[sflag:s22] =	ssyncadd.s32 s4;
	_ =	sdelay $0x1  }
0xa1: {  	s23 =	simm.s32 $0x1B8B  }
0xa2: {  	_ =	swait.ge [sflag:s23], $0x1  }
0xa3: {  	[sflag:s23] =	ssyncset.done $0x0  }
0xa4: {  	s25 =	simm.s32 $0x1B8E;
	s24 =	sld [smem:$0x3FFE];
	[sflag:s23] =	ssyncadd.s32 $0xFFFFFFFF  }
0xa5: {  	s26 =	simm.s32 $execute0_lowered;
	[smem:$0x3FD2] =	sst s25  }
0xa6: {  	s5 =	sshll.u32 s26, $0x1;
	_ =	strace $0x80000046;
	[dreg:$0x1] =	wrdreg $0xFFFFFFFF  }
0xa7: {  	s28 =	simm.s32 $_size_execute0_lowered;
	s3 =	sadd.s32 s3, s5;
	[dreg:$0x0] =	wrdreg $0x0  }
0xa8: {  	s5 =	sshll.u32 s28, $0x1;
	[dreg:$0x2] =	wrdreg s3  }
0xa9: {  	[dreg:$0x3] =	wrdreg s5  }
0xaa: {  	[dreg:$0x4] =	wrdreg $0xC0  }
0xab: {  	_ =	task [dreg:s7], $0x5FFFF  }
0xac: {  	[dreg:$0x1] =	wrdreg $0xFFFFFFFF  }
0xad: {  	[dreg:$0x0] =	wrdreg $0x60  }
0xae: {  	[dreg:$0x2] =	wrdreg s24  }
0xaf: {  	[dreg:$0x3] =	wrdreg s2  }
0xb0: {  	[dreg:$0x4] =	wrdreg $0x9  }
0xb1: {  	_ =	task.clear_ibuf [dreg:s7], $0x5FFFF;
	_ =	strace $0x90000046  }
0xb2: {  	s29 =	simm.s32 $0x9;
	_ =	strace $0x80000048  }
0xb3: {  	_ =	swait.ge [sflag:s29], $0x1  }
0xb4: {  	[sflag:s29] =	ssyncadd.s32 $0xFFFFFFFF  }
0xb5: {  	_ =	strace $0x90000048  }
0xb6: {  	_ =	sfence  }
0xb7: {  	s30 =	sld [smem:$0x0];
	_ =	sdelay $0x2  }
0xb8: {  	s31 =	sshll.u32 s1, $0xD;
	s1 =	sshrl.u32 s1, $0x2  }
0xb9: {  	s3 =	sand.u32 $0x4000, s31;
	s1 =	sadd.s32 s1, s30  }
0xba: {  	s0 =	sor.u32 s3, s0;
	s1 =	sshll.u32 s1, $0x11  }
0xbb: {  	s0 =	sor.u32 s1, s0  }
0xbc: {  	s0 =	sadd.s32 $0x8F2B, s0  }
0xbd: {  	[sflag:s0] =	ssyncadd.remote.s32 $0x1  }
0xbe: {  	_ =	sfence.sel $0xFFFF  }
0xbf: {  	[dreg:$0x0] =	wrdreg $0xFFFFFFFF;
	(pc) =	sbr.abs _section_cstart, $3  }
0xc0: {  	[dreg:$0x1] =	wrdreg $0xFFFFFFFF  }
0xc1: {  	_ =	task.clear_ibuf [dreg:s7], $0x2FFFF;
	_ =	strace $0x9FFFFFFF  }
0xc2: {  	(tm) =	ssettm $0x7FFFFFFF  }
0xc3: {  	_ =	shalt  }
tec
execute0_lowered:
.L_overlay_start_1:
0x0: {  	(tag) =	ssettag $0x1  }
0x1: {  	s0 =	rddreg [dreg:$0x0]  }
0x2: {  	s2 =	rddreg [dreg:$0x1];
	s3 =	simm.s32 $0x0;
	s1 =	srdreg.scid  }
0x3: {  	s10 =	stileid.u32;
	s15 =	simm.s32 $0x480;
	s16 =	simm.s32 $0x9800  }
0x4: {  	s17 =	simm.s32 $0x500;
	s18 =	simm.s32 $0xA800;
	[smem:$0x7FF] =	sst s3  }
0x5: {  	s19 =	simm.s32 $0x580;
	_ =	strace $0x80000047;
	[dreg:$0x5] =	wrdreg s15  }
0x6: {  	s20 =	simm.s32 $0xB800;
	s21 =	simm.s32 $0x600;
	[dreg:$0x6] =	wrdreg s16  }
0x7: {  	s22 =	simm.s32 $0xC800;
	s23 =	simm.s32 $0x680;
	[dreg:$0x7] =	wrdreg s17  }
0x8: {  	s24 =	simm.s32 $0xD800;
	s25 =	simm.s32 $0x700;
	[dreg:$0x8] =	wrdreg s18  }
0x9: {  	s26 =	simm.s32 $0xE800;
	s30 =	simm.s32 $0x780;
	[dreg:$0x9] =	wrdreg s19  }
0xa: {  	s28 =	simm.s32 $0x2;
	s29 =	simm.s32 $0x0;
	[dreg:$0xa] =	wrdreg s20  }
0xb: {  	s1 =	sand.u32 $0x1, s1;
	s4 =	smul.u32 $0x32000, s10;
	[dreg:$0xb] =	wrdreg s21  }
0xc: {  	s5 =	sshll.u32 s10, $0x1;
	s7 =	sadd.s32 $0x400, s0;
	[dreg:$0xc] =	wrdreg s22  }
0xd: {  	s0 =	sadd.s32 $0x64400, s0;
	s10 =	smul.u32 $0x640000, s10;
	[dreg:$0xd] =	wrdreg s23  }
0xe: {  	s6 =	smul.u32 $0x19000, s1;
	s5 =	sor.u32 s1, s5;
	[dreg:$0xe] =	wrdreg s24  }
0xf: {  	s8 =	ssub.s32 $0x2, s1;
	s1 =	smul.u32 $0x320000, s1;
	[dreg:$0xf] =	wrdreg s25  }
0x10: {  	s21 =	simm.s32 $0x6800;
	s22 =	simm.s32 $0x380;
	[dreg:$0x10] =	wrdreg s26  }
0x11: {  	s23 =	simm.s32 $0x7800;
	[dreg:$0x11] =	wrdreg s30;
	s24 =	simm.s32 $0x400  }
0x12: {  	s25 =	simm.s32 $0x8800;
	s26 =	simm.s32 $0x1;
	s31 =	sshrl.u32 s8, $0x1  }
0x13: {  	s5 =	smul.u32 $0x3200, s5;
	s6 =	sadd.s32 s6, s4;
	s8 =	ssub.s32 s8, s31  }
0x14: {  	s1 =	sadd.s32 s1, s10;
	s10 =	simm.s32 $0x800;
	s31 =	simm.s32 $0xF800  }
0x15: {  	s9 =	sor.u32 $0x800, s6;
	s4 =	sadd.s32 s7, s5;
	s5 =	smax.u32 s8, $0x1  }
0x16: {  	s6 =	sor.u32 $0x400, s6;
	s12 =	sshrl.u32 s1, $0x3;
	s13 =	sor.u32 $0x8000, s1  }
0x17: {  	s8 =	simm.s32 $0x3;
	[dreg:$0x12] =	wrdreg s31;
	s9 =	sshrl.u32 s9, $0x3  }
0x18: {  	s6 =	sshrl.u32 s6, $0x3;
	s1 =	sadd.s32 s12, s0;
	s11 =	sadd.s32 s9, s7  }
0x19: {  	s14 =	sshrl.u32 s13, $0x3;
	s6 =	sadd.s32 s6, s7;
	[dreg:$0x3] =	wrdreg s11  }
0x1a: {  	s7 =	sadd.s32 s14, s0;
	s9 =	simm.s32 $0x80;
	[dreg:$0x4] =	wrdreg s6  }
.LBB2_1:
0x1b: {  	[tilespmem:s3], [sflag:$0x3] =	stream.linear.gather [hbm4b:s4+s3], $0x400, $0x38;
	[tilespmem:$0x10800] =	vst v63  }
0x1c: {  	_ =	swait.ge [sflag:s8], $0x400  }
0x1d: {  	[sflag:s8] =	ssyncset.done $0x0  }
0x1e: {  	[sflag:s8] =	ssyncadd.s32 $0xFFFFFC00  }
0x1f: {  	[tilespmem:s10], [sflag:$0x1] =	stream.indirect.gather [hbm4b:s2+s9], $0x20, s3, s9, $0xb8;
	[tilespmem:$0x10800] =	vst v63  }
0x20: {  	s0 =	simm.s32 $0x1800  }
0x21: {  	[tilespmem:s0], [sflag:$0x1] =	stream.indirect.gather [hbm4b:s2+s9], $0x20, s9, s9, $0xb8;
	[tilespmem:$0x10800] =	vst v63  }
0x22: {  	s20 =	simm.s32 $0x100;
	s6 =	simm.s32 $0x2800  }
0x23: {  	[tilespmem:s6], [sflag:$0x1] =	stream.indirect.gather [hbm4b:s2+s9], $0x20, s20, s9, $0xb8;
	[tilespmem:$0x10800] =	vst v63  }
0x24: {  	s11 =	simm.s32 $0x180;
	s12 =	simm.s32 $0x3800  }
0x25: {  	[tilespmem:s12], [sflag:$0x1] =	stream.indirect.gather [hbm4b:s2+s9], $0x20, s11, s9, $0xb8;
	[tilespmem:$0x10800] =	vst v63  }
0x26: {  	s13 =	simm.s32 $0x200;
	s14 =	simm.s32 $0x4800  }
0x27: {  	[tilespmem:s14], [sflag:$0x1] =	stream.indirect.gather [hbm4b:s2+s9], $0x20, s13, s9, $0xb8;
	[tilespmem:$0x10800] =	vst v63  }
0x28: {  	s15 =	simm.s32 $0x280;
	s16 =	simm.s32 $0x5800  }
0x29: {  	[tilespmem:s16], [sflag:$0x1] =	stream.indirect.gather [hbm4b:s2+s9], $0x20, s15, s9, $0xb8;
	[tilespmem:$0x10800] =	vst v63  }
0x2a: {  	s17 =	simm.s32 $0x300;
	p0 =	por $0x1, $0x1  }
0x2b: {  	[tilespmem:s21], [sflag:$0x1] =	stream.indirect.gather [hbm4b:s2+s9], $0x20, s17, s9, $0xb8;
	[tilespmem:$0x10800] =	vst v63  }
0x2c: {  	s0 =	simm.s32 @!p0 $0x2  }
0x2d: {  	[tilespmem:s23], [sflag:$0x1] =	stream.indirect.gather [hbm4b:s2+s9], $0x20, s22, s9, $0xb8;
	[tilespmem:$0x10800] =	vst v63  }
0x2e: {  	_ =	swait.ge @!p0 [sflag:s0], $0x8000  }
0x2f: {  	s18 =	rddreg [dreg:$0x4];
	[sflag:s0] =	ssyncset.done @!p0 $0x0  }
0x30: {  	[sflag:s0] =	ssyncadd.s32 @!p0 $0xFFFF8000;
	s19 =	sadd.s32 $0x0, s18  }
0x31: {  	[tilespmem:s24], [sflag:$0x3] =	stream.linear.gather [hbm4b:s19+s3], $0x400, $0x38;
	[tilespmem:$0x10800] =	vst v63  }
0x32: {  	_ =	swait.ge [sflag:s8], $0x400  }
0x33: {  	s20 =	rddreg [dreg:$0x7]  }
0x34: {  	s12 =	rddreg [dreg:$0x5]  }
0x35: {  	s11 =	rddreg [dreg:$0x6]  }
0x36: {  	s30 =	rddreg [dreg:$0x8]  }
0x37: {  	s13 =	rddreg [dreg:$0x9]  }
0x38: {  	[sflag:s8] =	ssyncset.done $0x0;
	s14 =	rddreg [dreg:$0xa]  }
0x39: {  	s15 =	rddreg [dreg:$0xc];
	[sflag:s8] =	ssyncadd.s32 $0xFFFFFC00  }
0x3a: {  	[tilespmem:s25], [sflag:$0x1] =	stream.indirect.gather [hbm4b:s2+s9], $0x20, s24, s9, $0xb8;
	[tilespmem:$0x10800] =	vst v63  }
0x3b: {  	s16 =	rddreg [dreg:$0xe]  }
0x3c: {  	[tilespmem:s11], [sflag:$0x1] =	stream.indirect.gather [hbm4b:s2+s9], $0x20, s12, s9, $0xb8;
	[tilespmem:$0x10800] =	vst v63  }
0x3d: {  	s17 =	rddreg [dreg:$0xd]  }
0x3e: {  	[tilespmem:s30], [sflag:$0x1] =	stream.indirect.gather [hbm4b:s2+s9], $0x20, s20, s9, $0xb8;
	[tilespmem:$0x10800] =	vst v63  }
0x3f: {  	s18 =	rddreg [dreg:$0x10]  }
0x40: {  	[tilespmem:s14], [sflag:$0x1] =	stream.indirect.gather [hbm4b:s2+s9], $0x20, s13, s9, $0xb8;
	[tilespmem:$0x10800] =	vst v63  }
0x41: {  	s30 =	rddreg [dreg:$0xb]  }
0x42: {  	[tilespmem:s15], [sflag:$0x1] =	stream.indirect.gather [hbm4b:s2+s9], $0x20, s30, s9, $0xb8;
	[tilespmem:$0x10800] =	vst v63  }
0x43: {  	s19 =	rddreg [dreg:$0x12]  }
0x44: {  	[tilespmem:s16], [sflag:$0x1] =	stream.indirect.gather [hbm4b:s2+s9], $0x20, s17, s9, $0xb8;
	[tilespmem:$0x10800] =	vst v63  }
0x45: {  	s30 =	rddreg [dreg:$0xf]  }
0x46: {  	[tilespmem:s18], [sflag:$0x1] =	stream.indirect.gather [hbm4b:s2+s9], $0x20, s30, s9, $0xb8;
	[tilespmem:$0x10800] =	vst v63  }
0x47: {  	s20 =	rddreg [dreg:$0x11]  }
0x48: {  	[tilespmem:s19], [sflag:$0x1] =	stream.indirect.gather [hbm4b:s2+s9], $0x20, s20, s9, $0xb8;
	[tilespmem:$0x10800] =	vst v63  }
0x49: {  	_ =	swait.ge [sflag:s26], $0x1000  }
0x4a: {  	[sflag:s26] =	ssyncset.done $0x0  }
0x4b: {  	[sflag:s26] =	ssyncadd.s32 $0xFFFFF000  }
0x4c: {  	_ =	swait.ge [sflag:s26], $0x1000  }
0x4d: {  	[sflag:s26] =	ssyncset.done $0x0  }
0x4e: {  	[sflag:s26] =	ssyncadd.s32 $0xFFFFF000  }
0x4f: {  	_ =	swait.ge [sflag:s26], $0x1000  }
0x50: {  	[sflag:s26] =	ssyncset.done $0x0  }
0x51: {  	[sflag:s26] =	ssyncadd.s32 $0xFFFFF000  }
0x52: {  	_ =	swait.ge [sflag:s26], $0x1000  }
0x53: {  	[sflag:s26] =	ssyncset.done $0x0  }
0x54: {  	[sflag:s26] =	ssyncadd.s32 $0xFFFFF000  }
0x55: {  	_ =	swait.ge [sflag:s26], $0x1000  }
0x56: {  	[sflag:s26] =	ssyncset.done $0x0  }
0x57: {  	[sflag:s26] =	ssyncadd.s32 $0xFFFFF000  }
0x58: {  	_ =	swait.ge [sflag:s26], $0x1000  }
0x59: {  	[sflag:s26] =	ssyncset.done $0x0  }
0x5a: {  	[sflag:s26] =	ssyncadd.s32 $0xFFFFF000  }
0x5b: {  	_ =	swait.ge [sflag:s26], $0x1000  }
0x5c: {  	[sflag:s26] =	ssyncset.done $0x0  }
0x5d: {  	[sflag:s26] =	ssyncadd.s32 $0xFFFFF000  }
0x5e: {  	_ =	swait.ge [sflag:s26], $0x1000  }
0x5f: {  	[sflag:s26] =	ssyncset.done $0x0  }
0x60: {  	[sflag:s26] =	ssyncadd.s32 $0xFFFFF000  }
0x61: {  	[hbm4b:s1+s3] =	stream.linear.scatter [tilespmem:s10], [sflag:$0x2], $0x8000, $0x38;
	[tilespmem:$0x10800] =	vst v63  }
0x62: {  	p0 =	por $0x0, $0x0;
	_ =	swait.ge [sflag:s28], $0x8000  }
0x63: {  	s6 =	simm.s32 @!p0 $0x0;
	s0 =	rddreg [dreg:$0x3];
	[sflag:s28] =	ssyncset.done $0x0  }
0x64: {  	s11 =	simm.s32 @!p0 $0x3;
	[sflag:s28] =	ssyncadd.s32 $0xFFFF8000;
	s0 =	sadd.s32 @!p0 $0x0, s0  }
0x65: {  	[tilespmem:s6], [sflag:$0x3] =	stream.linear.gather @!p0 [hbm4b:s0+s6], $0x400, $0x38;
	[tilespmem:$0x10800] =	vst v63  }
0x66: {  	_ =	swait.ge @!p0 [sflag:s11], $0x400  }
0x67: {  	[sflag:s11] =	ssyncset.done @!p0 $0x0  }
0x68: {  	s30 =	simm.s32 @!p0 $0x800;
	s0 =	simm.s32 @!p0 $0x80;
	[sflag:s11] =	ssyncadd.s32 @!p0 $0xFFFFFC00  }
0x69: {  	[tilespmem:s30], [sflag:$0x1] =	stream.indirect.gather @!p0 [hbm4b:s2+s0], $0x20, s6, s0, $0xb8;
	[tilespmem:$0x10800] =	vst v63  }
0x6a: {  	s6 =	simm.s32 @!p0 $0x1800  }
0x6b: {  	[tilespmem:s6], [sflag:$0x1] =	stream.indirect.gather @!p0 [hbm4b:s2+s0], $0x20, s0, s0, $0xb8;
	[tilespmem:$0x10800] =	vst v63  }
0x6c: {  	s11 =	simm.s32 @!p0 $0x2800;
	s6 =	simm.s32 @!p0 $0x100  }
0x6d: {  	[tilespmem:s11], [sflag:$0x1] =	stream.indirect.gather @!p0 [hbm4b:s2+s0], $0x20, s6, s0, $0xb8;
	[tilespmem:$0x10800] =	vst v63  }
0x6e: {  	s6 =	simm.s32 @!p0 $0x180;
	s11 =	simm.s32 @!p0 $0x3800  }
0x6f: {  	[tilespmem:s11], [sflag:$0x1] =	stream.indirect.gather @!p0 [hbm4b:s2+s0], $0x20, s6, s0, $0xb8;
	[tilespmem:$0x10800] =	vst v63  }
0x70: {  	s6 =	simm.s32 @!p0 $0x200;
	s11 =	simm.s32 @!p0 $0x4800  }
0x71: {  	[tilespmem:s11], [sflag:$0x1] =	stream.indirect.gather @!p0 [hbm4b:s2+s0], $0x20, s6, s0, $0xb8;
	[tilespmem:$0x10800] =	vst v63  }
0x72: {  	s6 =	simm.s32 @!p0 $0x280;
	s11 =	simm.s32 @!p0 $0x5800  }
0x73: {  	[tilespmem:s11], [sflag:$0x1] =	stream.indirect.gather @!p0 [hbm4b:s2+s0], $0x20, s6, s0, $0xb8;
	[tilespmem:$0x10800] =	vst v63  }
0x74: {  	s6 =	simm.s32 @!p0 $0x300;
	s11 =	simm.s32 @!p0 $0x6800  }
0x75: {  	[tilespmem:s11], [sflag:$0x1] =	stream.indirect.gather @!p0 [hbm4b:s2+s0], $0x20, s6, s0, $0xb8;
	[tilespmem:$0x10800] =	vst v63  }
0x76: {  	s6 =	simm.s32 @!p0 $0x380;
	s11 =	simm.s32 @!p0 $0x7800  }
0x77: {  	[tilespmem:s11], [sflag:$0x1] =	stream.indirect.gather @!p0 [hbm4b:s2+s0], $0x20, s6, s0, $0xb8;
	[tilespmem:$0x10800] =	vst v63  }
0x78: {  	_ =	swait.ge [sflag:s26], $0x1000  }
0x79: {  	[sflag:s26] =	ssyncset.done $0x0  }
0x7a: {  	[sflag:s26] =	ssyncadd.s32 $0xFFFFF000  }
0x7b: {  	_ =	swait.ge [sflag:s26], $0x1000  }
0x7c: {  	[sflag:s26] =	ssyncset.done $0x0  }
0x7d: {  	[sflag:s26] =	ssyncadd.s32 $0xFFFFF000  }
0x7e: {  	_ =	swait.ge [sflag:s26], $0x1000  }
0x7f: {  	[sflag:s26] =	ssyncset.done $0x0  }
0x80: {  	[sflag:s26] =	ssyncadd.s32 $0xFFFFF000  }
0x81: {  	_ =	swait.ge [sflag:s26], $0x1000  }
0x82: {  	[sflag:s26] =	ssyncset.done $0x0  }
0x83: {  	[sflag:s26] =	ssyncadd.s32 $0xFFFFF000  }
0x84: {  	_ =	swait.ge [sflag:s26], $0x1000  }
0x85: {  	[sflag:s26] =	ssyncset.done $0x0  }
0x86: {  	[sflag:s26] =	ssyncadd.s32 $0xFFFFF000  }
0x87: {  	s31 =	simm.s32 $0x100;
	s30 =	smov.u32 s7;
	_ =	swait.ge [sflag:s26], $0x1000  }
0x88: {  	s0 =	sadd.s32 $0x2000, s7;
	s6 =	smov.u32 s1;
	[sflag:s26] =	ssyncset.done $0x0  }
.LBB2_2:
0x89: {  	[sflag:s26] =	ssyncadd.s32 $0xFFFFF000  }
0x8a: {  	_ =	swait.ge [sflag:s26], $0x1000  }
0x8b: {  	[sflag:s26] =	ssyncset.done $0x0  }
0x8c: {  	[sflag:s26] =	ssyncadd.s32 $0xFFFFF000  }
0x8d: {  	s11 =	smov.u32 s31;
	_ =	swait.ge [sflag:s26], $0x1000  }
0x8e: {  	p1 =	seq.s32 s11, $0x0;
	[sflag:s26] =	ssyncset.done $0x0  }
0x8f: {  	s12 =	simm.s32 @!p1 $0x2;
	[sflag:s26] =	ssyncadd.s32 $0xFFFFF000  }
0x90: {  	[hbm4b:s30+s3] =	stream.linear.scatter [tilespmem:s25], [sflag:$0x2], $0x8000, $0x38;
	[tilespmem:$0x10800] =	vst v63  }
0x91: {  	_ =	swait.ge @!p1 [sflag:s12], $0x8000  }
0x92: {  	[sflag:s12] =	ssyncset.done @!p1 $0x0;
	s13 =	rddreg [dreg:$0x4]  }
0x93: {  	[sflag:s12] =	ssyncadd.s32 @!p1 $0xFFFF8000;
	s18 =	sadd.s32 s11, s13  }
0x94: {  	[tilespmem:s24], [sflag:$0x3] =	stream.linear.gather [hbm4b:s18+s3], $0x400, $0x38;
	[tilespmem:$0x10800] =	vst v63  }
0x95: {  	_ =	swait.ge [sflag:s8], $0x400  }
0x96: {  	s12 =	rddreg [dreg:$0x12]  }
0x97: {  	s13 =	rddreg [dreg:$0x10]  }
0x98: {  	s14 =	rddreg [dreg:$0xe]  }
0x99: {  	s15 =	rddreg [dreg:$0xc]  }
0x9a: {  	s16 =	rddreg [dreg:$0x9]  }
0x9b: {  	[sflag:s8] =	ssyncset.done $0x0;
	s17 =	rddreg [dreg:$0x7]  }
0x9c: {  	s18 =	rddreg [dreg:$0x5];
	[sflag:s8] =	ssyncadd.s32 $0xFFFFFC00  }
0x9d: {  	[tilespmem:s25], [sflag:$0x1] =	stream.indirect.gather [hbm4b:s2+s9], $0x20, s24, s9, $0xb8;
	[tilespmem:$0x10800] =	vst v63  }
0x9e: {  	s19 =	rddreg [dreg:$0x6]  }
0x9f: {  	[tilespmem:s19], [sflag:$0x1] =	stream.indirect.gather [hbm4b:s2+s9], $0x20, s18, s9, $0xb8;
	[tilespmem:$0x10800] =	vst v63  }
0xa0: {  	s20 =	rddreg [dreg:$0x8]  }
0xa1: {  	[tilespmem:s20], [sflag:$0x1] =	stream.indirect.gather [hbm4b:s2+s9], $0x20, s17, s9, $0xb8;
	[tilespmem:$0x10800] =	vst v63  }
0xa2: {  	s19 =	rddreg [dreg:$0xa]  }
0xa3: {  	[tilespmem:s19], [sflag:$0x1] =	stream.indirect.gather [hbm4b:s2+s9], $0x20, s16, s9, $0xb8;
	[tilespmem:$0x10800] =	vst v63  }
0xa4: {  	s20 =	rddreg [dreg:$0xb]  }
0xa5: {  	[tilespmem:s15], [sflag:$0x1] =	stream.indirect.gather [hbm4b:s2+s9], $0x20, s20, s9, $0xb8;
	[tilespmem:$0x10800] =	vst v63  }
0xa6: {  	s18 =	rddreg [dreg:$0xd]  }
0xa7: {  	[tilespmem:s14], [sflag:$0x1] =	stream.indirect.gather [hbm4b:s2+s9], $0x20, s18, s9, $0xb8;
	[tilespmem:$0x10800] =	vst v63  }
0xa8: {  	s19 =	rddreg [dreg:$0xf]  }
0xa9: {  	[tilespmem:s13], [sflag:$0x1] =	stream.indirect.gather [hbm4b:s2+s9], $0x20, s19, s9, $0xb8;
	[tilespmem:$0x10800] =	vst v63  }
0xaa: {  	s20 =	rddreg [dreg:$0x11]  }
0xab: {  	[tilespmem:s12], [sflag:$0x1] =	stream.indirect.gather [hbm4b:s2+s9], $0x20, s20, s9, $0xb8;
	[tilespmem:$0x10800] =	vst v63  }
0xac: {  	_ =	swait.ge [sflag:s26], $0x1000  }
0xad: {  	[sflag:s26] =	ssyncset.done $0x0  }
0xae: {  	[sflag:s26] =	ssyncadd.s32 $0xFFFFF000  }
0xaf: {  	_ =	swait.ge [sflag:s26], $0x1000  }
0xb0: {  	[sflag:s26] =	ssyncset.done $0x0  }
0xb1: {  	[sflag:s26] =	ssyncadd.s32 $0xFFFFF000  }
0xb2: {  	_ =	swait.ge [sflag:s26], $0x1000  }
0xb3: {  	[sflag:s26] =	ssyncset.done $0x0  }
0xb4: {  	[sflag:s26] =	ssyncadd.s32 $0xFFFFF000  }
0xb5: {  	_ =	swait.ge [sflag:s26], $0x1000  }
0xb6: {  	[sflag:s26] =	ssyncset.done $0x0  }
0xb7: {  	[sflag:s26] =	ssyncadd.s32 $0xFFFFF000  }
0xb8: {  	_ =	swait.ge [sflag:s26], $0x1000  }
0xb9: {  	[sflag:s26] =	ssyncset.done $0x0  }
0xba: {  	[sflag:s26] =	ssyncadd.s32 $0xFFFFF000  }
0xbb: {  	_ =	swait.ge [sflag:s26], $0x1000  }
0xbc: {  	[sflag:s26] =	ssyncset.done $0x0  }
0xbd: {  	[sflag:s26] =	ssyncadd.s32 $0xFFFFF000  }
0xbe: {  	_ =	swait.ge [sflag:s26], $0x1000  }
0xbf: {  	[sflag:s26] =	ssyncset.done $0x0  }
0xc0: {  	[sflag:s26] =	ssyncadd.s32 $0xFFFFF000  }
0xc1: {  	_ =	swait.ge [sflag:s26], $0x1000  }
0xc2: {  	[sflag:s26] =	ssyncset.done $0x0  }
0xc3: {  	s6 =	sadd.s32 $0x2000, s6;
	[sflag:s26] =	ssyncadd.s32 $0xFFFFF000  }
0xc4: {  	[hbm4b:s6+s3] =	stream.linear.scatter [tilespmem:s10], [sflag:$0x2], $0x8000, $0x38;
	[tilespmem:$0x10800] =	vst v63  }
0xc5: {  	p1 =	seq.s32 s11, $0x3100;
	_ =	swait.ge [sflag:s28], $0x8000  }
0xc6: {  	s13 =	simm.s32 @!p1 $0x0;
	s12 =	rddreg [dreg:$0x3];
	[sflag:s28] =	ssyncset.done $0x0  }
0xc7: {  	[sflag:s28] =	ssyncadd.s32 $0xFFFF8000;
	s11 =	sadd.s32 @!p1 s11, s12;
	s12 =	simm.s32 @!p1 $0x3  }
0xc8: {  	[tilespmem:s13], [sflag:$0x3] =	stream.linear.gather @!p1 [hbm4b:s11+s13], $0x400, $0x38;
	[tilespmem:$0x10800] =	vst v63  }
0xc9: {  	_ =	swait.ge @!p1 [sflag:s12], $0x400  }
0xca: {  	[sflag:s12] =	ssyncset.done @!p1 $0x0  }
0xcb: {  	s14 =	simm.s32 @!p1 $0x800;
	s11 =	simm.s32 @!p1 $0x80;
	[sflag:s12] =	ssyncadd.s32 @!p1 $0xFFFFFC00  }
0xcc: {  	[tilespmem:s14], [sflag:$0x1] =	stream.indirect.gather @!p1 [hbm4b:s2+s11], $0x20, s13, s11, $0xb8;
	[tilespmem:$0x10800] =	vst v63  }
0xcd: {  	s12 =	simm.s32 @!p1 $0x1800  }
0xce: {  	[tilespmem:s12], [sflag:$0x1] =	stream.indirect.gather @!p1 [hbm4b:s2+s11], $0x20, s11, s11, $0xb8;
	[tilespmem:$0x10800] =	vst v63  }
0xcf: {  	s13 =	simm.s32 @!p1 $0x100;
	s14 =	simm.s32 @!p1 $0x2800  }
0xd0: {  	[tilespmem:s14], [sflag:$0x1] =	stream.indirect.gather @!p1 [hbm4b:s2+s11], $0x20, s13, s11, $0xb8;
	[tilespmem:$0x10800] =	vst v63  }
0xd1: {  	s15 =	simm.s32 @!p1 $0x3800;
	s12 =	simm.s32 @!p1 $0x180  }
0xd2: {  	[tilespmem:s15], [sflag:$0x1] =	stream.indirect.gather @!p1 [hbm4b:s2+s11], $0x20, s12, s11, $0xb8;
	[tilespmem:$0x10800] =	vst v63  }
0xd3: {  	s13 =	simm.s32 @!p1 $0x200;
	s14 =	simm.s32 @!p1 $0x4800  }
0xd4: {  	[tilespmem:s14], [sflag:$0x1] =	stream.indirect.gather @!p1 [hbm4b:s2+s11], $0x20, s13, s11, $0xb8;
	[tilespmem:$0x10800] =	vst v63  }
0xd5: {  	s12 =	simm.s32 @!p1 $0x280;
	s15 =	simm.s32 @!p1 $0x5800  }
0xd6: {  	[tilespmem:s15], [sflag:$0x1] =	stream.indirect.gather @!p1 [hbm4b:s2+s11], $0x20, s12, s11, $0xb8;
	[tilespmem:$0x10800] =	vst v63  }
0xd7: {  	s13 =	simm.s32 @!p1 $0x300;
	s14 =	simm.s32 @!p1 $0x6800  }
0xd8: {  	[tilespmem:s14], [sflag:$0x1] =	stream.indirect.gather @!p1 [hbm4b:s2+s11], $0x20, s13, s11, $0xb8;
	[tilespmem:$0x10800] =	vst v63  }
0xd9: {  	s12 =	simm.s32 @!p1 $0x380;
	s13 =	simm.s32 @!p1 $0x7800  }
0xda: {  	[tilespmem:s13], [sflag:$0x1] =	stream.indirect.gather @!p1 [hbm4b:s2+s11], $0x20, s12, s11, $0xb8;
	[tilespmem:$0x10800] =	vst v63  }
0xdb: {  	_ =	swait.ge [sflag:s26], $0x1000  }
0xdc: {  	[sflag:s26] =	ssyncset.done $0x0  }
0xdd: {  	[sflag:s26] =	ssyncadd.s32 $0xFFFFF000  }
0xde: {  	_ =	swait.ge [sflag:s26], $0x1000  }
0xdf: {  	[sflag:s26] =	ssyncset.done $0x0  }
0xe0: {  	[sflag:s26] =	ssyncadd.s32 $0xFFFFF000  }
0xe1: {  	_ =	swait.ge [sflag:s26], $0x1000  }
0xe2: {  	[sflag:s26] =	ssyncset.done $0x0  }
0xe3: {  	[sflag:s26] =	ssyncadd.s32 $0xFFFFF000  }
0xe4: {  	_ =	swait.ge [sflag:s26], $0x1000  }
0xe5: {  	s31 =	sadd.s32 $0x100, s31;
	[sflag:s26] =	ssyncset.done $0x0  }
0xe6: {  	p0 =	sne.s32 s31, $0x3200;
	[sflag:s26] =	ssyncadd.s32 $0xFFFFF000  }
.Ltmp0:
0xe7: {  	_ =	swait.ge [sflag:s26], $0x1000;
	(pc) =	sbr.rel @p0 .LBB2_2-.Ltmp0, $4  }
0xe8: {  	[sflag:s26] =	ssyncset.done $0x0  }
0xe9: {  	[sflag:s26] =	ssyncadd.s32 $0xFFFFF000  }
0xea: {  	_ =	swait.ge [sflag:s26], $0x1000  }
0xeb: {  	s30 =	smov.u32 s0;
	s0 =	sadd.s32 $0x2000, s0;
	[sflag:s26] =	ssyncset.done $0x0  }
0xec: {  	[sflag:s26] =	ssyncadd.s32 $0xFFFFF000  }
0xed: {  	_ =	swait.ge [sflag:s26], $0x1000  }
0xee: {  	[sflag:s26] =	ssyncset.done $0x0  }
0xef: {  	[sflag:s26] =	ssyncadd.s32 $0xFFFFF000  }
0xf0: {  	s29 =	sadd.s32 $0x1, s29;
	_ =	swait.ge [sflag:s26], $0x1000  }
0xf1: {  	p0 =	sne.s32 s29, s5;
	[sflag:s26] =	ssyncset.done $0x0  }
.Ltmp1:
0xf2: {  	[sflag:s26] =	ssyncadd.s32 $0xFFFFF000;
	(pc) =	sbr.rel @p0 .LBB2_1-.Ltmp1, $4  }
0xf3: {  	[hbm4b:s30+s3] =	stream.linear.scatter [tilespmem:s25], [sflag:$0x2], $0x8000, $0x38;
	[tilespmem:$0x10800] =	vst v63  }
0xf4: {  	_ =	swait.ge [sflag:s28], $0x8000  }
0xf5: {  	[sflag:s28] =	ssyncset.done $0x0  }
0xf6: {  	[sflag:s28] =	ssyncadd.s32 $0xFFFF8000  }
0xf7: {  	_ =	sfence.sel $0x180000  }
0xf8: {  	[bflag:$0x0] =	sbarrier.arrive $0xFFFF  }
0xf9: {  	_ =	strace $0x90000047  }
0xfa: {  	s0 =	stileid.u32;
	[bflag:$0x2] =	sbarrier.arrive $0xFFFF  }
0xfb: {  	p0 =	sne.s32 s0, $0x0;
	s0 =	rddreg [dreg:$0x2]  }
0xfc: {  	s0 =	sadd.s32 @!p0 $0x100000, s0  }
0xfd: {  	[sflag:s0] =	ssyncadd.tile.s32 @!p0 $0x1;
	_ =	shalt  }
.Lfunc_end2:
_tile_overlayer_lowered:
.L_overlay_start_2:
0xfe: {  	(tag) =	ssettag $0x2  }
0xff: {  	s0 =	rddreg [dreg:$0x0];
	s2 =	stileid.u32  }
0x100: {  	s1 =	rddreg [dreg:$0x1];
	p0 =	sne.s32 s2, $0x0  }
0x101: {  	s3 =	rddreg [dreg:$0x2];
	[bflag:$0x3] =	sbarrier.arrive $0xFFFF;
	s2 =	simm.s32 @!p0 $0x1C03  }
0x102: {  	[timem:s3], [sflag:s2] =	dma.local @!p0 [hbm:s0], s1  }
0x103: {  	s0 =	simm.s32 @!p0 $0x3  }
0x104: {  	_ =	swait.ge @!p0 [sflag:s0], s1  }
0x105: {  	s1 =	ssub.s32 @!p0 $0x0, s1;
	[sflag:s0] =	ssyncset.done @!p0 $0x0  }
0x106: {  	[sflag:s0] =	ssyncadd.s32 @!p0 s1  }
0x107: {  	[bflag:$0x3] =	sbarrier.arrive $0xFFFF  }
0x108: {  	_ =	shalt  }

</sc_bundles>
